<compile_context>
chip_gen: v7x
topology: tpu7x:2x2x1
jax: 0.10.2.dev20260603
libtpu: 0.0.44.dev20260713+nightly
codegen_flags: <defaults>
</compile_context>

<pallas_src>
import jax
import jax.numpy as jnp
from jax import lax
from jax.experimental import pallas as pl
from jax.experimental.pallas import tpu as pltpu
from jax.experimental.pallas import tpu_sc as plsc

_D_A = 94
_N_AX = 15
_D_PG = 13
_D_SS = _N_AX * _D_PG
_D_OUT = _D_A + _D_SS
_BS = 32
_N = 128
_NSG = 230
_NROWS = _N_AX * _NSG
_ROW_PAD = 256
_BB = 8


def _sc_gather_body(pss_hbm, idx_hbm, rows_out, idx_v, rows_v, sem):
    wid = lax.axis_index("s") * 2 + lax.axis_index("c")
    pltpu.sync_copy(idx_hbm.at[pl.ds(wid * 16, 16)], idx_v)
    pltpu.async_copy(pss_hbm.at[idx_v], rows_v, sem).wait()
    pltpu.sync_copy(rows_v, rows_out.at[wid])


def _sc_gather(pss_flat, idx):
    mesh = plsc.VectorSubcoreMesh(core_axis_name="c", subcore_axis_name="s",
                                  num_cores=2, num_subcores=16)
    k = pl.kernel(
        _sc_gather_body,
        out_type=jax.ShapeDtypeStruct((_BS, 16, _ROW_PAD), jnp.float32),
        mesh=mesh,
        scratch_types=[
            pltpu.VMEM((16,), jnp.int32),
            pltpu.VMEM((16, _ROW_PAD), jnp.float32),
            pltpu.SemaphoreType.DMA,
        ],
    )
    return k(pss_flat, idx)


def _tc_body(z_a_ref, p_a_ref, z_s_ref, p_s_ref, pa_ref, rt_ref,
             t_ref, s_ref, al_ref, ac_ref, out_ref):
    g = pl.program_id(0)
    f32 = jnp.float32
    dn_t = (((1,), (1,)), ((), ()))
    dn_n = (((1,), (0,)), ((), ()))

    ats, abts, abss = [], [], []
    for b in range(_BB):
        tb = t_ref[g * _BB + b]
        sb = s_ref[g * _BB + b]
        ats.append(al_ref[tb])
        abts.append(ac_ref[tb])
        abss.append(ac_ref[sb])

    def col3(vals):
        bi = lax.broadcasted_iota(jnp.int32, (_BB, 1, 1), 0)
        acc = jnp.full((_BB, 1, 1), vals[0], f32)
        for b in range(1, _BB):
            acc = jnp.where(bi == b, vals[b], acc)
        return acc

    at3 = col3(ats)
    abt3 = col3(abts)
    abs3 = col3(abss)

    za3 = z_a_ref[...]
    pa3 = p_a_ref[...]
    P = pa_ref[...]
    G = lax.dot_general(za3.reshape(_BB * _N, _D_A), P, dn_t,
                        preferred_element_type=f32).reshape(_BB, _N, _D_A)
    dz = za3 - G
    left = G + at3 * dz
    den = G + abt3 * dz
    den = jnp.where(den == 0.0, 1e-6, den)
    w = pa3 / den
    H = lax.dot_general(w.reshape(_BB * _N, _D_A), P, dn_n,
                        preferred_element_type=f32).reshape(_BB, _N, _D_A)
    right = H + abs3 * (w - H)
    un = left * right
    rs = jnp.sum(un, axis=-1, keepdims=True)
    un = jnp.where(rs == 0.0, 1e-5, un)
    rs = jnp.where(rs == 0.0, _D_A * 1e-5, rs)
    out_ref[:, :, 0:_D_A] = un / rs

    rr = lax.broadcasted_iota(jnp.int32, (_D_SS, _D_SS), 0)
    cc = lax.broadcasted_iota(jnp.int32, (_D_SS, _D_SS), 1)
    M = (rr // _D_PG == cc // _D_PG).astype(f32)
    kT = lax.broadcasted_iota(jnp.int32, (_D_PG, _D_SS), 0)
    cT = lax.broadcasted_iota(jnp.int32, (_D_PG, _D_SS), 1)
    T = (cT % _D_PG == kT).astype(f32)
    uns_list = []
    for b in range(_BB):
        R = rt_ref[b]
        BD = M * lax.dot_general(R, T, dn_n,
                                 preferred_element_type=f32)
        zs = z_s_ref[b]
        ps = p_s_ref[b]
        Gs = lax.dot_general(zs, BD, dn_t,
                             preferred_element_type=f32)
        dzs = zs - Gs
        lefts = Gs + ats[b] * dzs
        dens = Gs + abts[b] * dzs
        dens = jnp.where(dens == 0.0, 1e-6, dens)
        ws = ps / dens
        Hs = lax.dot_general(ws, BD, dn_n,
                             preferred_element_type=f32)
        rights = Hs + abss[b] * (ws - Hs)
        uns_list.append(lefts * rights)
    uns = jnp.concatenate(uns_list, axis=0)
    rS = lax.broadcasted_iota(jnp.int32, (_D_SS, _N_AX), 0)
    cS = lax.broadcasted_iota(jnp.int32, (_D_SS, _N_AX), 1)
    S = (rS // _D_PG == cS).astype(f32)
    rs15 = lax.dot_general(uns, S, dn_n, preferred_element_type=f32)
    rsf = lax.dot_general(rs15, S, dn_t, preferred_element_type=f32)
    uns = jnp.where(rsf == 0.0, 1e-5, uns)
    rsf = jnp.where(rsf == 0.0, _D_PG * 1e-5, rsf)
    out_ref[:, :, _D_A:_D_OUT] = (uns / rsf).reshape(_BB, _N, _D_SS)


def kernel(z_t_a, z_t_ss, pred_a, pred_ss, t, s, sgs, node_mask, P_a, P_ss,
           alphas, alphas_cumprod):
    del node_mask
    t = t.astype(jnp.int32)
    s = s.astype(jnp.int32)
    sgs = sgs.astype(jnp.int32)
    pss_flat = jnp.pad(P_ss.reshape(_NROWS, _D_PG * _D_PG),
                       ((0, 0), (0, _ROW_PAD - _D_PG * _D_PG)))
    lane = jnp.minimum(jnp.arange(16, dtype=jnp.int32), _N_AX - 1)
    idx = (lane[None, :] * _NSG + sgs[:, None]).reshape(_BS * 16)
    rows = _sc_gather(pss_flat, idx)
    rt = rows[:, :_N_AX, :_D_PG * _D_PG].reshape(_BS, _D_SS, _D_PG)
    grid = _BS // _BB
    return pl.pallas_call(
        _tc_body,
        grid=(grid,),
        in_specs=[
            pl.BlockSpec((_BB, _N, _D_A), lambda g: (g, 0, 0)),
            pl.BlockSpec((_BB, _N, _D_A), lambda g: (g, 0, 0)),
            pl.BlockSpec((_BB, _N, _D_SS), lambda g: (g, 0, 0)),
            pl.BlockSpec((_BB, _N, _D_SS), lambda g: (g, 0, 0)),
            pl.BlockSpec((_D_A, _D_A), lambda g: (0, 0)),
            pl.BlockSpec((_BB, _D_SS, _D_PG), lambda g: (g, 0, 0)),
            pl.BlockSpec(memory_space=pltpu.SMEM),
            pl.BlockSpec(memory_space=pltpu.SMEM),
            pl.BlockSpec(memory_space=pltpu.SMEM),
            pl.BlockSpec(memory_space=pltpu.SMEM),
        ],
        out_specs=pl.BlockSpec((_BB, _N, _D_OUT), lambda g: (g, 0, 0)),
        out_shape=jax.ShapeDtypeStruct((_BS, _N, _D_OUT), jnp.float32),
    )(z_t_a, pred_a, z_t_ss, pred_ss, P_a, rt, t, s,
      alphas.astype(jnp.float32), alphas_cumprod.astype(jnp.float32))

# --- scband reference (transcript-rebuilt; emitter-appended) ---
"""Pipeline reference for scband-discrete-noise-84791244357651 (READ-ONLY COPY).

The authoritative reference and input builder live on the scoring server;
editing this copy changes nothing except your own understanding.
"""

import jax, jax.numpy as jnp
import numpy as np

MAX_ATOMIC_NUM = 94
SITE_SYMM_AXES = 15
SITE_SYMM_PGS = 13
N_SG = 230
T_STEPS = 1000
BS = 32
N_MAX = 128


def setup_inputs(seed: int = 0):
    key = jax.random.key(seed)
    ks = jax.random.split(key, 10)
    z_t_a = jax.random.uniform(ks[0], (BS, N_MAX, MAX_ATOMIC_NUM), dtype=jnp.float32)
    z_t_ss = jax.random.uniform(ks[1], (BS, N_MAX, SITE_SYMM_AXES * SITE_SYMM_PGS), dtype=jnp.float32)
    pred_a = jax.nn.softmax(jax.random.normal(ks[2], (BS, N_MAX, MAX_ATOMIC_NUM), dtype=jnp.float32), axis=-1)
    pred_ss = jax.random.uniform(ks[3], (BS, N_MAX, SITE_SYMM_AXES * SITE_SYMM_PGS), dtype=jnp.float32)
    t = jax.random.randint(ks[4], (BS,), 1, T_STEPS)
    s = jnp.maximum(t - 1, 0)
    sgs = jax.random.randint(ks[5], (BS,), 0, N_SG)
    node_mask = jnp.ones((BS, N_MAX), dtype=bool)
    P_a = jax.nn.softmax(jax.random.normal(ks[6], (MAX_ATOMIC_NUM, MAX_ATOMIC_NUM), dtype=jnp.float32), axis=-1)
    P_ss = jax.nn.softmax(jax.random.normal(ks[7], (SITE_SYMM_AXES, N_SG, SITE_SYMM_PGS, SITE_SYMM_PGS), dtype=jnp.float32), axis=-1)
    betas = jnp.linspace(1e-4, 0.02, T_STEPS).astype(jnp.float32)
    alphas = 1.0 - betas
    alphas_cumprod = jnp.cumprod(alphas)
    return {"z_t_a": z_t_a, "z_t_ss": z_t_ss, "pred_a": pred_a, "pred_ss": pred_ss, "t": t, "s": s, "sgs": sgs, "node_mask": node_mask, "P_a": P_a, "P_ss": P_ss, "alphas": alphas, "alphas_cumprod": alphas_cumprod}


def _q_mat(P, coef):
    # alpha * I + (1 - alpha) * P, per-batch coefficient
    d = P.shape[-1]
    eye = jnp.eye(d, dtype=jnp.float32)
    return coef[:, None, None] * eye + (1.0 - coef[:, None, None]) * P


def _posterior(z_t, Qt, Qsb, Qtb):
    # z_t @ Qt^T, broadcast against Qsb, divided by (Qtb @ z_t^T)^T
    left = jnp.einsum('bnd,bed->bne', z_t, Qt)
    numerator = left[:, :, None, :] * Qsb[:, None, :, :]
    prod = jnp.einsum('bij,bnj->bni', Qtb, z_t)
    denominator = jnp.where(prod == 0, 1e-6, prod)[..., None]
    return numerator / denominator


def _combine(pred, post):
    weighted = pred[..., None] * post
    unnorm = weighted.sum(axis=2)
    rowsum = unnorm.sum(axis=-1, keepdims=True)
    unnorm = jnp.where(rowsum == 0, 1e-5, unnorm)
    return unnorm / unnorm.sum(axis=-1, keepdims=True)


def reference(z_t_a, z_t_ss, pred_a, pred_ss, t, s, sgs, node_mask, P_a, P_ss, alphas, alphas_cumprod):
    alpha_t = alphas[t]
    ab_t = alphas_cumprod[t]
    ab_s = alphas_cumprod[s]
    # atom types
    Qt_a = _q_mat(P_a, alpha_t)
    Qtb_a = _q_mat(P_a, ab_t)
    Qsb_a = _q_mat(P_a, ab_s)
    prob_a = _combine(pred_a, _posterior(z_t_a, Qt_a, Qsb_a, Qtb_a))
    outs = [prob_a]
    # site symmetries: 15 block-diagonal sections of 13 point groups each, per spacegroup
    for i in range(SITE_SYMM_AXES):
        Pi = P_ss[i][sgs]
        zi = z_t_ss[..., i * SITE_SYMM_PGS:(i + 1) * SITE_SYMM_PGS]
        pi = pred_ss[..., i * SITE_SYMM_PGS:(i + 1) * SITE_SYMM_PGS]
        Qt_i = _q_mat(Pi, alpha_t)
        Qtb_i = _q_mat(Pi, ab_t)
        Qsb_i = _q_mat(Pi, ab_s)
        outs.append(_combine(pi, _posterior(zi, Qt_i, Qsb_i, Qtb_i)))
    return jnp.concatenate(outs, axis=-1)

if __name__ == "__main__":
    import jax
    _d = setup_inputs()
    print(jax.jit(kernel)(*tuple(_d.values())))

</pallas_src>

<mosaic_0001>
#map = affine_map<(d0, d1) -> (0, 0)>
#map1 = affine_map<(d0, d1) -> (0)>
#map2 = affine_map<(d0, d1) -> (0, 0, 0)>
module attributes {stable_mosaic.version = 14 : i64} {
  func.func @_sc_gather_body(%arg0: i32, %arg1: i32, %arg2: memref<3450x256xf32, #tpu.memory_space<hbm>>, %arg3: memref<512xi32, #tpu.memory_space<hbm>>, %arg4: memref<32x16x256xf32, #tpu.memory_space<hbm>>, %arg5: memref<16xi32, #tpu.memory_space<vmem>>, %arg6: memref<16x256xf32, #tpu.memory_space<vmem>>, %arg7: memref<!tpu.dma_semaphore, #tpu.memory_space<semaphore_mem>>) attributes {dimension_semantics = [#tpu.dimension_semantics<core_parallel>, #tpu.dimension_semantics<subcore_parallel>], iteration_bounds = array<i64: 2, 16>, scalar_prefetch = 0 : i64, scratch_operands = 3 : i64, tpu.core_type = #tpu.core_type<sc_vector_subcore>, window_params = [{transform_indices = #map}, {transform_indices = #map1}, {transform_indices = #map2}]} {
    %mul3A = arith.constant 2 : i32
    %mul3A_0 = arith.muli %arg1, %mul3A : i32
    %add3A = arith.addi %mul3A_0, %arg0 : i32
    %mul3A_1 = arith.constant 16 : i32
    %mul3A_2 = arith.muli %add3A, %mul3A_1 : i32
    "tpu.region"() ({
      %run_scoped3A = tpu.sem_alloc : memref<!tpu.dma_semaphore, #tpu.memory_space<semaphore_mem>>
      %dma_start3A_7 = tpu.memref_slice %arg3[%mul3A_2] : memref<512xi32, #tpu.memory_space<hbm>> -> memref<16xi32, #tpu.memory_space<hbm>>
      %dma_start3A_8 = tpu.memref_slice %arg3[%mul3A_2] : memref<512xi32, #tpu.memory_space<hbm>> -> memref<16xi32, #tpu.memory_space<hbm>>
      tpu.enqueue_dma source(%dma_start3A_8 : memref<16xi32, #tpu.memory_space<hbm>>) target(%arg5 : memref<16xi32, #tpu.memory_space<vmem>>) target_semaphore(%run_scoped3A : memref<!tpu.dma_semaphore, #tpu.memory_space<semaphore_mem>>)
      %dma_wait3A_9 = tpu.memref_slice %arg3[%mul3A_2] : memref<512xi32, #tpu.memory_space<hbm>> -> memref<16xi32, #tpu.memory_space<hbm>>
      %dma_wait3A_10 = tpu.memref_slice %arg3[%mul3A_2] : memref<512xi32, #tpu.memory_space<hbm>> -> memref<16xi32, #tpu.memory_space<hbm>>
      tpu.wait_dma2 semaphore(%run_scoped3A : memref<!tpu.dma_semaphore, #tpu.memory_space<semaphore_mem>>) src(%dma_wait3A_10 : memref<16xi32, #tpu.memory_space<hbm>>) dst(%arg5 : memref<16xi32, #tpu.memory_space<vmem>>)
      tpu.yield
    }) : () -> ()
    %dma_start3A = arith.constant 0 : i32
    %dma_start3A_3 = arith.constant 0 : i32
    %dma_start3A_4 = tpu.memref_slice %arg2[%dma_start3A, %dma_start3A_3] : memref<3450x256xf32, #tpu.memory_space<hbm>> -> memref<3450x256xf32, #tpu.memory_space<hbm>>
    tpu.enqueue_indirect_dma source(%dma_start3A_4 : memref<3450x256xf32, #tpu.memory_space<hbm>>) target(%arg6 : memref<16x256xf32, #tpu.memory_space<vmem>>) offsets(%arg5 : memref<16xi32, #tpu.memory_space<vmem>>) semaphore(%arg7 : memref<!tpu.dma_semaphore, #tpu.memory_space<semaphore_mem>>)
    %dma_wait3A = arith.constant 0 : i32
    %dma_wait3A_5 = arith.constant 0 : i32
    %dma_wait3A_6 = tpu.memref_slice %arg2[%dma_wait3A, %dma_wait3A_5] : memref<3450x256xf32, #tpu.memory_space<hbm>> -> memref<3450x256xf32, #tpu.memory_space<hbm>>
    tpu.wait_indirect_dma semaphore(%arg7 : memref<!tpu.dma_semaphore, #tpu.memory_space<semaphore_mem>>) src(%dma_wait3A_6 : memref<3450x256xf32, #tpu.memory_space<hbm>>) dst(%arg6 : memref<16x256xf32, #tpu.memory_space<vmem>>)
    "tpu.region"() ({
      %run_scoped3A = tpu.sem_alloc : memref<!tpu.dma_semaphore, #tpu.memory_space<semaphore_mem>>
      %dma_start3A_7 = arith.constant 0 : i32
      %dma_start3A_8 = arith.constant 0 : i32
      %dma_start3A_9 = tpu.memref_slice %arg4[%add3A, %dma_start3A_7, %dma_start3A_8] : memref<32x16x256xf32, #tpu.memory_space<hbm>> -> memref<1x16x256xf32, #tpu.memory_space<hbm>>
      %dma_start3A_10 = tpu.memref_squeeze %dma_start3A_9 : memref<1x16x256xf32, #tpu.memory_space<hbm>> -> memref<16x256xf32, #tpu.memory_space<hbm>>
      %dma_start3A_11 = arith.constant 0 : i32
      %dma_start3A_12 = arith.constant 0 : i32
      %dma_start3A_13 = tpu.memref_slice %arg4[%add3A, %dma_start3A_11, %dma_start3A_12] : memref<32x16x256xf32, #tpu.memory_space<hbm>> -> memref<1x16x256xf32, #tpu.memory_space<hbm>>
      %dma_start3A_14 = tpu.memref_squeeze %dma_start3A_13 : memref<1x16x256xf32, #tpu.memory_space<hbm>> -> memref<16x256xf32, #tpu.memory_space<hbm>>
      tpu.enqueue_dma source(%arg6 : memref<16x256xf32, #tpu.memory_space<vmem>>) target(%dma_start3A_14 : memref<16x256xf32, #tpu.memory_space<hbm>>) target_semaphore(%run_scoped3A : memref<!tpu.dma_semaphore, #tpu.memory_space<semaphore_mem>>)
      %dma_wait3A_15 = arith.constant 0 : i32
      %dma_wait3A_16 = arith.constant 0 : i32
      %dma_wait3A_17 = tpu.memref_slice %arg4[%add3A, %dma_wait3A_15, %dma_wait3A_16] : memref<32x16x256xf32, #tpu.memory_space<hbm>> -> memref<1x16x256xf32, #tpu.memory_space<hbm>>
      %dma_wait3A_18 = tpu.memref_squeeze %dma_wait3A_17 : memref<1x16x256xf32, #tpu.memory_space<hbm>> -> memref<16x256xf32, #tpu.memory_space<hbm>>
      %dma_wait3A_19 = arith.constant 0 : i32
      %dma_wait3A_20 = arith.constant 0 : i32
      %dma_wait3A_21 = tpu.memref_slice %arg4[%add3A, %dma_wait3A_19, %dma_wait3A_20] : memref<32x16x256xf32, #tpu.memory_space<hbm>> -> memref<1x16x256xf32, #tpu.memory_space<hbm>>
      %dma_wait3A_22 = tpu.memref_squeeze %dma_wait3A_21 : memref<1x16x256xf32, #tpu.memory_space<hbm>> -> memref<16x256xf32, #tpu.memory_space<hbm>>
      tpu.wait_dma2 semaphore(%run_scoped3A : memref<!tpu.dma_semaphore, #tpu.memory_space<semaphore_mem>>) src(%arg6 : memref<16x256xf32, #tpu.memory_space<vmem>>) dst(%dma_wait3A_22 : memref<16x256xf32, #tpu.memory_space<hbm>>)
      tpu.yield
    }) : () -> ()
    return
  }
}

module attributes {stable_mosaic.version = 14 : i64} {
  func.func @_tc_body(%arg0: i32, %arg1: memref<8x128x94xf32, #tpu.memory_space<vmem>>, %arg2: memref<8x128x94xf32, #tpu.memory_space<vmem>>, %arg3: memref<8x128x195xf32, #tpu.memory_space<vmem>>, %arg4: memref<8x128x195xf32, #tpu.memory_space<vmem>>, %arg5: memref<94x94xf32, #tpu.memory_space<vmem>>, %arg6: memref<8x195x13xf32, #tpu.memory_space<vmem>>, %arg7: memref<32xi32, #tpu.memory_space<smem>>, %arg8: memref<32xi32, #tpu.memory_space<smem>>, %arg9: memref<1000xf32, #tpu.memory_space<smem>>, %arg10: memref<1000xf32, #tpu.memory_space<smem>>, %arg11: memref<8x128x289xf32, #tpu.memory_space<vmem>>) attributes {dimension_semantics = [#tpu.dimension_semantics<arbitrary>], iteration_bounds = array<i64: 4>, scalar_prefetch = 0 : i64, scratch_operands = 0 : i64, tpu.core_type = #tpu.core_type<tc>, window_params = [{transform_indices = @transform_0, window_bounds = array<i64: 8, 128, 94>}, {transform_indices = @transform_1, window_bounds = array<i64: 8, 128, 94>}, {transform_indices = @transform_2, window_bounds = array<i64: 8, 128, 195>}, {transform_indices = @transform_3, window_bounds = array<i64: 8, 128, 195>}, {pipeline_mode = #tpu.pipeline_mode<synchronous>, transform_indices = @transform_4, window_bounds = array<i64: 94, 94>}, {transform_indices = @transform_5, window_bounds = array<i64: 8, 195, 13>}, {transform_indices = @transform_6, window_bounds = array<i64: 32>}, {transform_indices = @transform_7, window_bounds = array<i64: 32>}, {transform_indices = @transform_8, window_bounds = array<i64: 1000>}, {transform_indices = @transform_9, window_bounds = array<i64: 1000>}, {transform_indices = @transform_10, window_bounds = array<i64: 8, 128, 289>}]} {
    %mul3A = arith.constant 8 : i32
    %mul3A_0 = arith.muli %arg0, %mul3A : i32
    %add3A = arith.constant 0 : i32
    %add3A_1 = arith.addi %mul3A_0, %add3A : i32
    %get3A = arith.index_cast %add3A_1 : i32 to index
    %get3A_2 = memref.load %arg7[%get3A] : memref<32xi32, #tpu.memory_space<smem>>
    %mul3A_3 = arith.constant 8 : i32
    %mul3A_4 = arith.muli %arg0, %mul3A_3 : i32
    %add3A_5 = arith.constant 0 : i32
    %add3A_6 = arith.addi %mul3A_4, %add3A_5 : i32
    %get3A_7 = arith.index_cast %add3A_6 : i32 to index
    %get3A_8 = memref.load %arg8[%get3A_7] : memref<32xi32, #tpu.memory_space<smem>>
    %get3A_9 = arith.index_cast %get3A_2 : i32 to index
    %get3A_10 = memref.load %arg9[%get3A_9] : memref<1000xf32, #tpu.memory_space<smem>>
    %get3A_11 = arith.index_cast %get3A_2 : i32 to index
    %get3A_12 = memref.load %arg10[%get3A_11] : memref<1000xf32, #tpu.memory_space<smem>>
    %get3A_13 = arith.index_cast %get3A_8 : i32 to index
    %get3A_14 = memref.load %arg10[%get3A_13] : memref<1000xf32, #tpu.memory_space<smem>>
    %mul3A_15 = arith.constant 8 : i32
    %mul3A_16 = arith.muli %arg0, %mul3A_15 : i32
    %add3A_17 = arith.constant 1 : i32
    %add3A_18 = arith.addi %mul3A_16, %add3A_17 : i32
    %get3A_19 = arith.index_cast %add3A_18 : i32 to index
    %get3A_20 = memref.load %arg7[%get3A_19] : memref<32xi32, #tpu.memory_space<smem>>
    %mul3A_21 = arith.constant 8 : i32
    %mul3A_22 = arith.muli %arg0, %mul3A_21 : i32
    %add3A_23 = arith.constant 1 : i32
    %add3A_24 = arith.addi %mul3A_22, %add3A_23 : i32
    %get3A_25 = arith.index_cast %add3A_24 : i32 to index
    %get3A_26 = memref.load %arg8[%get3A_25] : memref<32xi32, #tpu.memory_space<smem>>
    %get3A_27 = arith.index_cast %get3A_20 : i32 to index
    %get3A_28 = memref.load %arg9[%get3A_27] : memref<1000xf32, #tpu.memory_space<smem>>
    %get3A_29 = arith.index_cast %get3A_20 : i32 to index
    %get3A_30 = memref.load %arg10[%get3A_29] : memref<1000xf32, #tpu.memory_space<smem>>
    %get3A_31 = arith.index_cast %get3A_26 : i32 to index
    %get3A_32 = memref.load %arg10[%get3A_31] : memref<1000xf32, #tpu.memory_space<smem>>
    %mul3A_33 = arith.constant 8 : i32
    %mul3A_34 = arith.muli %arg0, %mul3A_33 : i32
    %add3A_35 = arith.constant 2 : i32
    %add3A_36 = arith.addi %mul3A_34, %add3A_35 : i32
    %get3A_37 = arith.index_cast %add3A_36 : i32 to index
    %get3A_38 = memref.load %arg7[%get3A_37] : memref<32xi32, #tpu.memory_space<smem>>
    %mul3A_39 = arith.constant 8 : i32
    %mul3A_40 = arith.muli %arg0, %mul3A_39 : i32
    %add3A_41 = arith.constant 2 : i32
    %add3A_42 = arith.addi %mul3A_40, %add3A_41 : i32
    %get3A_43 = arith.index_cast %add3A_42 : i32 to index
    %get3A_44 = memref.load %arg8[%get3A_43] : memref<32xi32, #tpu.memory_space<smem>>
    %get3A_45 = arith.index_cast %get3A_38 : i32 to index
    %get3A_46 = memref.load %arg9[%get3A_45] : memref<1000xf32, #tpu.memory_space<smem>>
    %get3A_47 = arith.index_cast %get3A_38 : i32 to index
    %get3A_48 = memref.load %arg10[%get3A_47] : memref<1000xf32, #tpu.memory_space<smem>>
    %get3A_49 = arith.index_cast %get3A_44 : i32 to index
    %get3A_50 = memref.load %arg10[%get3A_49] : memref<1000xf32, #tpu.memory_space<smem>>
    %mul3A_51 = arith.constant 8 : i32
    %mul3A_52 = arith.muli %arg0, %mul3A_51 : i32
    %add3A_53 = arith.constant 3 : i32
    %add3A_54 = arith.addi %mul3A_52, %add3A_53 : i32
    %get3A_55 = arith.index_cast %add3A_54 : i32 to index
    %get3A_56 = memref.load %arg7[%get3A_55] : memref<32xi32, #tpu.memory_space<smem>>
    %mul3A_57 = arith.constant 8 : i32
    %mul3A_58 = arith.muli %arg0, %mul3A_57 : i32
    %add3A_59 = arith.constant 3 : i32
    %add3A_60 = arith.addi %mul3A_58, %add3A_59 : i32
    %get3A_61 = arith.index_cast %add3A_60 : i32 to index
    %get3A_62 = memref.load %arg8[%get3A_61] : memref<32xi32, #tpu.memory_space<smem>>
    %get3A_63 = arith.index_cast %get3A_56 : i32 to index
    %get3A_64 = memref.load %arg9[%get3A_63] : memref<1000xf32, #tpu.memory_space<smem>>
    %get3A_65 = arith.index_cast %get3A_56 : i32 to index
    %get3A_66 = memref.load %arg10[%get3A_65] : memref<1000xf32, #tpu.memory_space<smem>>
    %get3A_67 = arith.index_cast %get3A_62 : i32 to index
    %get3A_68 = memref.load %arg10[%get3A_67] : memref<1000xf32, #tpu.memory_space<smem>>
    %mul3A_69 = arith.constant 8 : i32
    %mul3A_70 = arith.muli %arg0, %mul3A_69 : i32
    %add3A_71 = arith.constant 4 : i32
    %add3A_72 = arith.addi %mul3A_70, %add3A_71 : i32
    %get3A_73 = arith.index_cast %add3A_72 : i32 to index
    %get3A_74 = memref.load %arg7[%get3A_73] : memref<32xi32, #tpu.memory_space<smem>>
    %mul3A_75 = arith.constant 8 : i32
    %mul3A_76 = arith.muli %arg0, %mul3A_75 : i32
    %add3A_77 = arith.constant 4 : i32
    %add3A_78 = arith.addi %mul3A_76, %add3A_77 : i32
    %get3A_79 = arith.index_cast %add3A_78 : i32 to index
    %get3A_80 = memref.load %arg8[%get3A_79] : memref<32xi32, #tpu.memory_space<smem>>
    %get3A_81 = arith.index_cast %get3A_74 : i32 to index
    %get3A_82 = memref.load %arg9[%get3A_81] : memref<1000xf32, #tpu.memory_space<smem>>
    %get3A_83 = arith.index_cast %get3A_74 : i32 to index
    %get3A_84 = memref.load %arg10[%get3A_83] : memref<1000xf32, #tpu.memory_space<smem>>
    %get3A_85 = arith.index_cast %get3A_80 : i32 to index
    %get3A_86 = memref.load %arg10[%get3A_85] : memref<1000xf32, #tpu.memory_space<smem>>
    %mul3A_87 = arith.constant 8 : i32
    %mul3A_88 = arith.muli %arg0, %mul3A_87 : i32
    %add3A_89 = arith.constant 5 : i32
    %add3A_90 = arith.addi %mul3A_88, %add3A_89 : i32
    %get3A_91 = arith.index_cast %add3A_90 : i32 to index
    %get3A_92 = memref.load %arg7[%get3A_91] : memref<32xi32, #tpu.memory_space<smem>>
    %mul3A_93 = arith.constant 8 : i32
    %mul3A_94 = arith.muli %arg0, %mul3A_93 : i32
    %add3A_95 = arith.constant 5 : i32
    %add3A_96 = arith.addi %mul3A_94, %add3A_95 : i32
    %get3A_97 = arith.index_cast %add3A_96 : i32 to index
    %get3A_98 = memref.load %arg8[%get3A_97] : memref<32xi32, #tpu.memory_space<smem>>
    %get3A_99 = arith.index_cast %get3A_92 : i32 to index
    %get3A_100 = memref.load %arg9[%get3A_99] : memref<1000xf32, #tpu.memory_space<smem>>
    %get3A_101 = arith.index_cast %get3A_92 : i32 to index
    %get3A_102 = memref.load %arg10[%get3A_101] : memref<1000xf32, #tpu.memory_space<smem>>
    %get3A_103 = arith.index_cast %get3A_98 : i32 to index
    %get3A_104 = memref.load %arg10[%get3A_103] : memref<1000xf32, #tpu.memory_space<smem>>
    %mul3A_105 = arith.constant 8 : i32
    %mul3A_106 = arith.muli %arg0, %mul3A_105 : i32
    %add3A_107 = arith.constant 6 : i32
    %add3A_108 = arith.addi %mul3A_106, %add3A_107 : i32
    %get3A_109 = arith.index_cast %add3A_108 : i32 to index
    %get3A_110 = memref.load %arg7[%get3A_109] : memref<32xi32, #tpu.memory_space<smem>>
    %mul3A_111 = arith.constant 8 : i32
    %mul3A_112 = arith.muli %arg0, %mul3A_111 : i32
    %add3A_113 = arith.constant 6 : i32
    %add3A_114 = arith.addi %mul3A_112, %add3A_113 : i32
    %get3A_115 = arith.index_cast %add3A_114 : i32 to index
    %get3A_116 = memref.load %arg8[%get3A_115] : memref<32xi32, #tpu.memory_space<smem>>
    %get3A_117 = arith.index_cast %get3A_110 : i32 to index
    %get3A_118 = memref.load %arg9[%get3A_117] : memref<1000xf32, #tpu.memory_space<smem>>
    %get3A_119 = arith.index_cast %get3A_110 : i32 to index
    %get3A_120 = memref.load %arg10[%get3A_119] : memref<1000xf32, #tpu.memory_space<smem>>
    %get3A_121 = arith.index_cast %get3A_116 : i32 to index
    %get3A_122 = memref.load %arg10[%get3A_121] : memref<1000xf32, #tpu.memory_space<smem>>
    %mul3A_123 = arith.constant 8 : i32
    %mul3A_124 = arith.muli %arg0, %mul3A_123 : i32
    %add3A_125 = arith.constant 7 : i32
    %add3A_126 = arith.addi %mul3A_124, %add3A_125 : i32
    %get3A_127 = arith.index_cast %add3A_126 : i32 to index
    %get3A_128 = memref.load %arg7[%get3A_127] : memref<32xi32, #tpu.memory_space<smem>>
    %mul3A_129 = arith.constant 8 : i32
    %mul3A_130 = arith.muli %arg0, %mul3A_129 : i32
    %add3A_131 = arith.constant 7 : i32
    %add3A_132 = arith.addi %mul3A_130, %add3A_131 : i32
    %get3A_133 = arith.index_cast %add3A_132 : i32 to index
    %get3A_134 = memref.load %arg8[%get3A_133] : memref<32xi32, #tpu.memory_space<smem>>
    %get3A_135 = arith.index_cast %get3A_128 : i32 to index
    %get3A_136 = memref.load %arg9[%get3A_135] : memref<1000xf32, #tpu.memory_space<smem>>
    %get3A_137 = arith.index_cast %get3A_128 : i32 to index
    %get3A_138 = memref.load %arg10[%get3A_137] : memref<1000xf32, #tpu.memory_space<smem>>
    %get3A_139 = arith.index_cast %get3A_134 : i32 to index
    %get3A_140 = memref.load %arg10[%get3A_139] : memref<1000xf32, #tpu.memory_space<smem>>
    %iota3A = tpu.iota {dimensions = array<i32: 0>} : vector<8x1x1xi32>
    %broadcast_in_dim3A = vector.broadcast %get3A_10 : f32 to vector<8x1x1xf32>
    %eq3A = arith.constant 1 : i32
    %eq3A_141 = vector.broadcast %eq3A : i32 to vector<8x1x1xi32>
    %eq3A_142 = arith.cmpi eq, %iota3A, %eq3A_141 : vector<8x1x1xi32>
    %broadcast_in_dim3A_143 = vector.broadcast %get3A_28 : f32 to vector<8x1x1xf32>
    %select_n3A = arith.select %eq3A_142, %broadcast_in_dim3A_143, %broadcast_in_dim3A : vector<8x1x1xi1>, vector<8x1x1xf32>
    %eq3A_144 = arith.constant 2 : i32
    %eq3A_145 = vector.broadcast %eq3A_144 : i32 to vector<8x1x1xi32>
    %eq3A_146 = arith.cmpi eq, %iota3A, %eq3A_145 : vector<8x1x1xi32>
    %broadcast_in_dim3A_147 = vector.broadcast %get3A_46 : f32 to vector<8x1x1xf32>
    %select_n3A_148 = arith.select %eq3A_146, %broadcast_in_dim3A_147, %select_n3A : vector<8x1x1xi1>, vector<8x1x1xf32>
    %eq3A_149 = arith.constant 3 : i32
    %eq3A_150 = vector.broadcast %eq3A_149 : i32 to vector<8x1x1xi32>
    %eq3A_151 = arith.cmpi eq, %iota3A, %eq3A_150 : vector<8x1x1xi32>
    %broadcast_in_dim3A_152 = vector.broadcast %get3A_64 : f32 to vector<8x1x1xf32>
    %select_n3A_153 = arith.select %eq3A_151, %broadcast_in_dim3A_152, %select_n3A_148 : vector<8x1x1xi1>, vector<8x1x1xf32>
    %eq3A_154 = arith.constant 4 : i32
    %eq3A_155 = vector.broadcast %eq3A_154 : i32 to vector<8x1x1xi32>
    %eq3A_156 = arith.cmpi eq, %iota3A, %eq3A_155 : vector<8x1x1xi32>
    %broadcast_in_dim3A_157 = vector.broadcast %get3A_82 : f32 to vector<8x1x1xf32>
    %select_n3A_158 = arith.select %eq3A_156, %broadcast_in_dim3A_157, %select_n3A_153 : vector<8x1x1xi1>, vector<8x1x1xf32>
    %eq3A_159 = arith.constant 5 : i32
    %eq3A_160 = vector.broadcast %eq3A_159 : i32 to vector<8x1x1xi32>
    %eq3A_161 = arith.cmpi eq, %iota3A, %eq3A_160 : vector<8x1x1xi32>
    %broadcast_in_dim3A_162 = vector.broadcast %get3A_100 : f32 to vector<8x1x1xf32>
    %select_n3A_163 = arith.select %eq3A_161, %broadcast_in_dim3A_162, %select_n3A_158 : vector<8x1x1xi1>, vector<8x1x1xf32>
    %eq3A_164 = arith.constant 6 : i32
    %eq3A_165 = vector.broadcast %eq3A_164 : i32 to vector<8x1x1xi32>
    %eq3A_166 = arith.cmpi eq, %iota3A, %eq3A_165 : vector<8x1x1xi32>
    %broadcast_in_dim3A_167 = vector.broadcast %get3A_118 : f32 to vector<8x1x1xf32>
    %select_n3A_168 = arith.select %eq3A_166, %broadcast_in_dim3A_167, %select_n3A_163 : vector<8x1x1xi1>, vector<8x1x1xf32>
    %eq3A_169 = arith.constant 7 : i32
    %eq3A_170 = vector.broadcast %eq3A_169 : i32 to vector<8x1x1xi32>
    %eq3A_171 = arith.cmpi eq, %iota3A, %eq3A_170 : vector<8x1x1xi32>
    %broadcast_in_dim3A_172 = vector.broadcast %get3A_136 : f32 to vector<8x1x1xf32>
    %select_n3A_173 = arith.select %eq3A_171, %broadcast_in_dim3A_172, %select_n3A_168 : vector<8x1x1xi1>, vector<8x1x1xf32>
    %iota3A_174 = tpu.iota {dimensions = array<i32: 0>} : vector<8x1x1xi32>
    %broadcast_in_dim3A_175 = vector.broadcast %get3A_12 : f32 to vector<8x1x1xf32>
    %eq3A_176 = arith.constant 1 : i32
    %eq3A_177 = vector.broadcast %eq3A_176 : i32 to vector<8x1x1xi32>
    %eq3A_178 = arith.cmpi eq, %iota3A_174, %eq3A_177 : vector<8x1x1xi32>
    %broadcast_in_dim3A_179 = vector.broadcast %get3A_30 : f32 to vector<8x1x1xf32>
    %select_n3A_180 = arith.select %eq3A_178, %broadcast_in_dim3A_179, %broadcast_in_dim3A_175 : vector<8x1x1xi1>, vector<8x1x1xf32>
    %eq3A_181 = arith.constant 2 : i32
    %eq3A_182 = vector.broadcast %eq3A_181 : i32 to vector<8x1x1xi32>
    %eq3A_183 = arith.cmpi eq, %iota3A_174, %eq3A_182 : vector<8x1x1xi32>
    %broadcast_in_dim3A_184 = vector.broadcast %get3A_48 : f32 to vector<8x1x1xf32>
    %select_n3A_185 = arith.select %eq3A_183, %broadcast_in_dim3A_184, %select_n3A_180 : vector<8x1x1xi1>, vector<8x1x1xf32>
    %eq3A_186 = arith.constant 3 : i32
    %eq3A_187 = vector.broadcast %eq3A_186 : i32 to vector<8x1x1xi32>
    %eq3A_188 = arith.cmpi eq, %iota3A_174, %eq3A_187 : vector<8x1x1xi32>
    %broadcast_in_dim3A_189 = vector.broadcast %get3A_66 : f32 to vector<8x1x1xf32>
    %select_n3A_190 = arith.select %eq3A_188, %broadcast_in_dim3A_189, %select_n3A_185 : vector<8x1x1xi1>, vector<8x1x1xf32>
    %eq3A_191 = arith.constant 4 : i32
    %eq3A_192 = vector.broadcast %eq3A_191 : i32 to vector<8x1x1xi32>
    %eq3A_193 = arith.cmpi eq, %iota3A_174, %eq3A_192 : vector<8x1x1xi32>
    %broadcast_in_dim3A_194 = vector.broadcast %get3A_84 : f32 to vector<8x1x1xf32>
    %select_n3A_195 = arith.select %eq3A_193, %broadcast_in_dim3A_194, %select_n3A_190 : vector<8x1x1xi1>, vector<8x1x1xf32>
    %eq3A_196 = arith.constant 5 : i32
    %eq3A_197 = vector.broadcast %eq3A_196 : i32 to vector<8x1x1xi32>
    %eq3A_198 = arith.cmpi eq, %iota3A_174, %eq3A_197 : vector<8x1x1xi32>
    %broadcast_in_dim3A_199 = vector.broadcast %get3A_102 : f32 to vector<8x1x1xf32>
    %select_n3A_200 = arith.select %eq3A_198, %broadcast_in_dim3A_199, %select_n3A_195 : vector<8x1x1xi1>, vector<8x1x1xf32>
    %eq3A_201 = arith.constant 6 : i32
    %eq3A_202 = vector.broadcast %eq3A_201 : i32 to vector<8x1x1xi32>
    %eq3A_203 = arith.cmpi eq, %iota3A_174, %eq3A_202 : vector<8x1x1xi32>
    %broadcast_in_dim3A_204 = vector.broadcast %get3A_120 : f32 to vector<8x1x1xf32>
    %select_n3A_205 = arith.select %eq3A_203, %broadcast_in_dim3A_204, %select_n3A_200 : vector<8x1x1xi1>, vector<8x1x1xf32>
    %eq3A_206 = arith.constant 7 : i32
    %eq3A_207 = vector.broadcast %eq3A_206 : i32 to vector<8x1x1xi32>
    %eq3A_208 = arith.cmpi eq, %iota3A_174, %eq3A_207 : vector<8x1x1xi32>
    %broadcast_in_dim3A_209 = vector.broadcast %get3A_138 : f32 to vector<8x1x1xf32>
    %select_n3A_210 = arith.select %eq3A_208, %broadcast_in_dim3A_209, %select_n3A_205 : vector<8x1x1xi1>, vector<8x1x1xf32>
    %iota3A_211 = tpu.iota {dimensions = array<i32: 0>} : vector<8x1x1xi32>
    %broadcast_in_dim3A_212 = vector.broadcast %get3A_14 : f32 to vector<8x1x1xf32>
    %eq3A_213 = arith.constant 1 : i32
    %eq3A_214 = vector.broadcast %eq3A_213 : i32 to vector<8x1x1xi32>
    %eq3A_215 = arith.cmpi eq, %iota3A_211, %eq3A_214 : vector<8x1x1xi32>
    %broadcast_in_dim3A_216 = vector.broadcast %get3A_32 : f32 to vector<8x1x1xf32>
    %select_n3A_217 = arith.select %eq3A_215, %broadcast_in_dim3A_216, %broadcast_in_dim3A_212 : vector<8x1x1xi1>, vector<8x1x1xf32>
    %eq3A_218 = arith.constant 2 : i32
    %eq3A_219 = vector.broadcast %eq3A_218 : i32 to vector<8x1x1xi32>
    %eq3A_220 = arith.cmpi eq, %iota3A_211, %eq3A_219 : vector<8x1x1xi32>
    %broadcast_in_dim3A_221 = vector.broadcast %get3A_50 : f32 to vector<8x1x1xf32>
    %select_n3A_222 = arith.select %eq3A_220, %broadcast_in_dim3A_221, %select_n3A_217 : vector<8x1x1xi1>, vector<8x1x1xf32>
    %eq3A_223 = arith.constant 3 : i32
    %eq3A_224 = vector.broadcast %eq3A_223 : i32 to vector<8x1x1xi32>
    %eq3A_225 = arith.cmpi eq, %iota3A_211, %eq3A_224 : vector<8x1x1xi32>
    %broadcast_in_dim3A_226 = vector.broadcast %get3A_68 : f32 to vector<8x1x1xf32>
    %select_n3A_227 = arith.select %eq3A_225, %broadcast_in_dim3A_226, %select_n3A_222 : vector<8x1x1xi1>, vector<8x1x1xf32>
    %eq3A_228 = arith.constant 4 : i32
    %eq3A_229 = vector.broadcast %eq3A_228 : i32 to vector<8x1x1xi32>
    %eq3A_230 = arith.cmpi eq, %iota3A_211, %eq3A_229 : vector<8x1x1xi32>
    %broadcast_in_dim3A_231 = vector.broadcast %get3A_86 : f32 to vector<8x1x1xf32>
    %select_n3A_232 = arith.select %eq3A_230, %broadcast_in_dim3A_231, %select_n3A_227 : vector<8x1x1xi1>, vector<8x1x1xf32>
    %eq3A_233 = arith.constant 5 : i32
    %eq3A_234 = vector.broadcast %eq3A_233 : i32 to vector<8x1x1xi32>
    %eq3A_235 = arith.cmpi eq, %iota3A_211, %eq3A_234 : vector<8x1x1xi32>
    %broadcast_in_dim3A_236 = vector.broadcast %get3A_104 : f32 to vector<8x1x1xf32>
    %select_n3A_237 = arith.select %eq3A_235, %broadcast_in_dim3A_236, %select_n3A_232 : vector<8x1x1xi1>, vector<8x1x1xf32>
    %eq3A_238 = arith.constant 6 : i32
    %eq3A_239 = vector.broadcast %eq3A_238 : i32 to vector<8x1x1xi32>
    %eq3A_240 = arith.cmpi eq, %iota3A_211, %eq3A_239 : vector<8x1x1xi32>
    %broadcast_in_dim3A_241 = vector.broadcast %get3A_122 : f32 to vector<8x1x1xf32>
    %select_n3A_242 = arith.select %eq3A_240, %broadcast_in_dim3A_241, %select_n3A_237 : vector<8x1x1xi1>, vector<8x1x1xf32>
    %eq3A_243 = arith.constant 7 : i32
    %eq3A_244 = vector.broadcast %eq3A_243 : i32 to vector<8x1x1xi32>
    %eq3A_245 = arith.cmpi eq, %iota3A_211, %eq3A_244 : vector<8x1x1xi32>
    %broadcast_in_dim3A_246 = vector.broadcast %get3A_140 : f32 to vector<8x1x1xf32>
    %select_n3A_247 = arith.select %eq3A_245, %broadcast_in_dim3A_246, %select_n3A_242 : vector<8x1x1xi1>, vector<8x1x1xf32>
    %get3A_248 = arith.constant 0 : index
    %get3A_249 = arith.constant 0 : index
    %get3A_250 = arith.constant 0 : index
    %get3A_251 = vector.load %arg1[%get3A_248, %get3A_249, %get3A_250] : memref<8x128x94xf32, #tpu.memory_space<vmem>>, vector<8x128x94xf32>
    %get3A_252 = arith.constant 0 : index
    %get3A_253 = arith.constant 0 : index
    %get3A_254 = arith.constant 0 : index
    %get3A_255 = vector.load %arg2[%get3A_252, %get3A_253, %get3A_254] : memref<8x128x94xf32, #tpu.memory_space<vmem>>, vector<8x128x94xf32>
    %get3A_256 = arith.constant 0 : index
    %get3A_257 = arith.constant 0 : index
    %get3A_258 = vector.load %arg5[%get3A_256, %get3A_257] : memref<94x94xf32, #tpu.memory_space<vmem>>, vector<94x94xf32>
    %reshape3A = vector.shape_cast %get3A_251 : vector<8x128x94xf32> to vector<1024x94xf32>
    %dot_general3A = arith.constant dense<0.000000e+00> : vector<1024x94xf32>
    %dot_general3A_259 = tpu.matmul %reshape3A, %get3A_258, %dot_general3A {dimension_numbers = #tpu.dot_dimension_numbers<[1], [1], [0], [0], [0, 0, 1, 0], [], []>, transpose_lhs_hint = false} : vector<1024x94xf32>, vector<94x94xf32>, vector<1024x94xf32> -> vector<1024x94xf32>
    %reshape3A_260 = vector.shape_cast %dot_general3A_259 : vector<1024x94xf32> to vector<8x128x94xf32>
    %sub3A = arith.subf %get3A_251, %reshape3A_260 : vector<8x128x94xf32>
    %mul3A_261 = vector.broadcast %select_n3A_173 : vector<8x1x1xf32> to vector<8x128x94xf32>
    %mul3A_262 = arith.mulf %mul3A_261, %sub3A : vector<8x128x94xf32>
    %add3A_263 = arith.addf %reshape3A_260, %mul3A_262 : vector<8x128x94xf32>
    %mul3A_264 = vector.broadcast %select_n3A_210 : vector<8x1x1xf32> to vector<8x128x94xf32>
    %mul3A_265 = arith.mulf %mul3A_264, %sub3A : vector<8x128x94xf32>
    %add3A_266 = arith.addf %reshape3A_260, %mul3A_265 : vector<8x128x94xf32>
    %eq3A_267 = arith.constant 0.000000e+00 : f32
    %eq3A_268 = vector.broadcast %eq3A_267 : f32 to vector<8x128x94xf32>
    %eq3A_269 = arith.cmpf oeq, %add3A_266, %eq3A_268 : vector<8x128x94xf32>
    %jit3A = arith.constant 9.99999997E-7 : f32
    %broadcast_in_dim3A_270 = vector.broadcast %jit3A : f32 to vector<8x128x94xf32>
    %select_n3A_271 = arith.select %eq3A_269, %broadcast_in_dim3A_270, %add3A_266 : vector<8x128x94xi1>, vector<8x128x94xf32>
    %div3A = arith.divf %get3A_255, %select_n3A_271 : vector<8x128x94xf32>
    %reshape3A_272 = vector.shape_cast %div3A : vector<8x128x94xf32> to vector<1024x94xf32>
    %dot_general3A_273 = arith.constant dense<0.000000e+00> : vector<1024x94xf32>
    %dot_general3A_274 = tpu.matmul %reshape3A_272, %get3A_258, %dot_general3A_273 {dimension_numbers = #tpu.dot_dimension_numbers<[1], [0], [0], [1], [0, 0, 1, 1], [], []>, transpose_lhs_hint = false} : vector<1024x94xf32>, vector<94x94xf32>, vector<1024x94xf32> -> vector<1024x94xf32>
    %reshape3A_275 = vector.shape_cast %dot_general3A_274 : vector<1024x94xf32> to vector<8x128x94xf32>
    %sub3A_276 = arith.subf %div3A, %reshape3A_275 : vector<8x128x94xf32>
    %mul3A_277 = vector.broadcast %select_n3A_247 : vector<8x1x1xf32> to vector<8x128x94xf32>
    %mul3A_278 = arith.mulf %mul3A_277, %sub3A_276 : vector<8x128x94xf32>
    %add3A_279 = arith.addf %reshape3A_275, %mul3A_278 : vector<8x128x94xf32>
    %mul3A_280 = arith.mulf %add3A_263, %add3A_279 : vector<8x128x94xf32>
    %reduce_sum3A = arith.constant dense<0.000000e+00> : vector<8x128xf32>
    %reduce_sum3A_281 = vector.multi_reduction <add>, %mul3A_280, %reduce_sum3A [2] : vector<8x128x94xf32> to vector<8x128xf32>
    %broadcast_in_dim3A_282 = vector.shape_cast %reduce_sum3A_281 : vector<8x128xf32> to vector<8x128x1xf32>
    %eq3A_283 = arith.constant 0.000000e+00 : f32
    %eq3A_284 = vector.broadcast %eq3A_283 : f32 to vector<8x128x1xf32>
    %eq3A_285 = arith.cmpf oeq, %broadcast_in_dim3A_282, %eq3A_284 : vector<8x128x1xf32>
    %jit3A_286 = arith.constant 9.99999974E-6 : f32
    %broadcast_in_dim3A_287 = vector.shape_cast %eq3A_285 : vector<8x128x1xi1> to vector<8x128x1xi1>
    %broadcast_in_dim3A_288 = vector.broadcast %broadcast_in_dim3A_287 : vector<8x128x1xi1> to vector<8x128x94xi1>
    %broadcast_in_dim3A_289 = vector.broadcast %jit3A_286 : f32 to vector<8x128x94xf32>
    %select_n3A_290 = arith.select %broadcast_in_dim3A_288, %broadcast_in_dim3A_289, %mul3A_280 : vector<8x128x94xi1>, vector<8x128x94xf32>
    %eq3A_291 = arith.constant 0.000000e+00 : f32
    %eq3A_292 = vector.broadcast %eq3A_291 : f32 to vector<8x128x1xf32>
    %eq3A_293 = arith.cmpf oeq, %broadcast_in_dim3A_282, %eq3A_292 : vector<8x128x1xf32>
    %jit3A_294 = arith.constant 9.400000e-04 : f32
    %broadcast_in_dim3A_295 = vector.broadcast %jit3A_294 : f32 to vector<8x128x1xf32>
    %select_n3A_296 = arith.select %eq3A_293, %broadcast_in_dim3A_295, %broadcast_in_dim3A_282 : vector<8x128x1xi1>, vector<8x128x1xf32>
    %div3A_297 = vector.broadcast %select_n3A_296 : vector<8x128x1xf32> to vector<8x128x94xf32>
    %div3A_298 = arith.divf %select_n3A_290, %div3A_297 : vector<8x128x94xf32>
    %swap3A = arith.constant 0 : index
    %swap3A_299 = arith.constant 0 : index
    %swap3A_300 = arith.constant 0 : index
    %swap3A_301 = vector.load %arg11[%swap3A, %swap3A_299, %swap3A_300] : memref<8x128x289xf32, #tpu.memory_space<vmem>>, vector<8x128x94xf32>
    tpu.vector_store %arg11[%swap3A, %swap3A_299, %swap3A_300], %div3A_298 {strides = array<i32>} : memref<8x128x289xf32, #tpu.memory_space<vmem>>, vector<8x128x94xf32>,
    %iota3A_302 = tpu.iota {dimensions = array<i32: 0>} : vector<195x195xi32>
    %iota3A_303 = tpu.iota {dimensions = array<i32: 1>} : vector<195x195xi32>
    %jit3A_304 = arith.constant 13 : i32
    %div3A_305 = vector.broadcast %jit3A_304 : i32 to vector<195x195xi32>
    %div3A_306 = arith.divsi %iota3A_302, %div3A_305 : vector<195x195xi32>
    %sign3A = arith.constant 0 : i32
    %sign3A_307 = vector.broadcast %sign3A : i32 to vector<195x195xi32>
    %sign3A_308 = arith.cmpi sgt, %iota3A_302, %sign3A_307 : vector<195x195xi32>
    %sign3A_309 = arith.extui %sign3A_308 : vector<195x195xi1> to vector<195x195xi32>
    %sign3A_310 = arith.constant 0 : i32
    %sign3A_311 = vector.broadcast %sign3A_310 : i32 to vector<195x195xi32>
    %sign3A_312 = arith.cmpi slt, %iota3A_302, %sign3A_311 : vector<195x195xi32>
    %sign3A_313 = arith.extui %sign3A_312 : vector<195x195xi1> to vector<195x195xi32>
    %sign3A_314 = arith.subi %sign3A_309, %sign3A_313 : vector<195x195xi32>
    %sign3A_315 = arith.constant 0 : i32
    %sign3A_316 = arith.cmpi sgt, %jit3A_304, %sign3A_315 : i32
    %sign3A_317 = arith.extui %sign3A_316 : i1 to i32
    %sign3A_318 = arith.constant 0 : i32
    %sign3A_319 = arith.cmpi slt, %jit3A_304, %sign3A_318 : i32
    %sign3A_320 = arith.extui %sign3A_319 : i1 to i32
    %sign3A_321 = arith.subi %sign3A_317, %sign3A_320 : i32
    %ne3A = vector.broadcast %sign3A_321 : i32 to vector<195x195xi32>
    %ne3A_322 = arith.cmpi ne, %sign3A_314, %ne3A : vector<195x195xi32>
    %rem3A = vector.broadcast %jit3A_304 : i32 to vector<195x195xi32>
    %rem3A_323 = arith.remsi %iota3A_302, %rem3A : vector<195x195xi32>
    %ne3A_324 = arith.constant 0 : i32
    %ne3A_325 = vector.broadcast %ne3A_324 : i32 to vector<195x195xi32>
    %ne3A_326 = arith.cmpi ne, %rem3A_323, %ne3A_325 : vector<195x195xi32>
    %and3A = arith.andi %ne3A_322, %ne3A_326 : vector<195x195xi1>
    %sub3A_327 = arith.constant 1 : i32
    %sub3A_328 = vector.broadcast %sub3A_327 : i32 to vector<195x195xi32>
    %sub3A_329 = arith.subi %div3A_306, %sub3A_328 : vector<195x195xi32>
    %select_n3A_330 = arith.select %and3A, %sub3A_329, %div3A_306 : vector<195x195xi1>, vector<195x195xi32>
    %jit3A_331 = arith.constant 13 : i32
    %div3A_332 = vector.broadcast %jit3A_331 : i32 to vector<195x195xi32>
    %div3A_333 = arith.divsi %iota3A_303, %div3A_332 : vector<195x195xi32>
    %sign3A_334 = arith.constant 0 : i32
    %sign3A_335 = vector.broadcast %sign3A_334 : i32 to vector<195x195xi32>
    %sign3A_336 = arith.cmpi sgt, %iota3A_303, %sign3A_335 : vector<195x195xi32>
    %sign3A_337 = arith.extui %sign3A_336 : vector<195x195xi1> to vector<195x195xi32>
    %sign3A_338 = arith.constant 0 : i32
    %sign3A_339 = vector.broadcast %sign3A_338 : i32 to vector<195x195xi32>
    %sign3A_340 = arith.cmpi slt, %iota3A_303, %sign3A_339 : vector<195x195xi32>
    %sign3A_341 = arith.extui %sign3A_340 : vector<195x195xi1> to vector<195x195xi32>
    %sign3A_342 = arith.subi %sign3A_337, %sign3A_341 : vector<195x195xi32>
    %sign3A_343 = arith.constant 0 : i32
    %sign3A_344 = arith.cmpi sgt, %jit3A_331, %sign3A_343 : i32
    %sign3A_345 = arith.extui %sign3A_344 : i1 to i32
    %sign3A_346 = arith.constant 0 : i32
    %sign3A_347 = arith.cmpi slt, %jit3A_331, %sign3A_346 : i32
    %sign3A_348 = arith.extui %sign3A_347 : i1 to i32
    %sign3A_349 = arith.subi %sign3A_345, %sign3A_348 : i32
    %ne3A_350 = vector.broadcast %sign3A_349 : i32 to vector<195x195xi32>
    %ne3A_351 = arith.cmpi ne, %sign3A_342, %ne3A_350 : vector<195x195xi32>
    %rem3A_352 = vector.broadcast %jit3A_331 : i32 to vector<195x195xi32>
    %rem3A_353 = arith.remsi %iota3A_303, %rem3A_352 : vector<195x195xi32>
    %ne3A_354 = arith.constant 0 : i32
    %ne3A_355 = vector.broadcast %ne3A_354 : i32 to vector<195x195xi32>
    %ne3A_356 = arith.cmpi ne, %rem3A_353, %ne3A_355 : vector<195x195xi32>
    %and3A_357 = arith.andi %ne3A_351, %ne3A_356 : vector<195x195xi1>
    %sub3A_358 = arith.constant 1 : i32
    %sub3A_359 = vector.broadcast %sub3A_358 : i32 to vector<195x195xi32>
    %sub3A_360 = arith.subi %div3A_333, %sub3A_359 : vector<195x195xi32>
    %select_n3A_361 = arith.select %and3A_357, %sub3A_360, %div3A_333 : vector<195x195xi1>, vector<195x195xi32>
    %eq3A_362 = arith.cmpi eq, %select_n3A_330, %select_n3A_361 : vector<195x195xi32>
    %convert_element_type3A = arith.extui %eq3A_362 : vector<195x195xi1> to vector<195x195xi32>
    %convert_element_type3A_363 = arith.sitofp %convert_element_type3A : vector<195x195xi32> to vector<195x195xf32>
    %iota3A_364 = tpu.iota {dimensions = array<i32: 0>} : vector<13x195xi32>
    %iota3A_365 = tpu.iota {dimensions = array<i32: 1>} : vector<13x195xi32>
    %jit3A_366 = arith.constant 13 : i32
    %eq3A_367 = arith.constant 0 : i32
    %eq3A_368 = arith.cmpi eq, %jit3A_366, %eq3A_367 : i32
    %jit3A_369 = arith.constant 1 : i32
    %select_n3A_370 = arith.select %eq3A_368, %jit3A_369, %jit3A_366 : i32
    %rem3A_371 = vector.broadcast %select_n3A_370 : i32 to vector<13x195xi32>
    %rem3A_372 = arith.remsi %iota3A_365, %rem3A_371 : vector<13x195xi32>
    %ne3A_373 = arith.constant 0 : i32
    %ne3A_374 = vector.broadcast %ne3A_373 : i32 to vector<13x195xi32>
    %ne3A_375 = arith.cmpi ne, %rem3A_372, %ne3A_374 : vector<13x195xi32>
    %lt3A = arith.constant 0 : i32
    %lt3A_376 = vector.broadcast %lt3A : i32 to vector<13x195xi32>
    %lt3A_377 = arith.cmpi slt, %rem3A_372, %lt3A_376 : vector<13x195xi32>
    %lt3A_378 = arith.constant 0 : i32
    %lt3A_379 = arith.cmpi slt, %select_n3A_370, %lt3A_378 : i32
    %ne3A_380 = vector.broadcast %lt3A_379 : i1 to vector<13x195xi1>
    %ne3A_381 = vector.broadcast %ne3A_380 : vector<13x195xi1> to vector<13x195xi1>
    %ne3A_382 = arith.xori %lt3A_377, %ne3A_381 : vector<13x195xi1>
    %and3A_383 = arith.andi %ne3A_382, %ne3A_375 : vector<13x195xi1>
    %add3A_384 = vector.broadcast %select_n3A_370 : i32 to vector<13x195xi32>
    %add3A_385 = arith.addi %rem3A_372, %add3A_384 : vector<13x195xi32>
    %select_n3A_386 = arith.select %and3A_383, %add3A_385, %rem3A_372 : vector<13x195xi1>, vector<13x195xi32>
    %eq3A_387 = arith.cmpi eq, %select_n3A_386, %iota3A_364 : vector<13x195xi32>
    %convert_element_type3A_388 = arith.extui %eq3A_387 : vector<13x195xi1> to vector<13x195xi32>
    %convert_element_type3A_389 = arith.sitofp %convert_element_type3A_388 : vector<13x195xi32> to vector<13x195xf32>
    %get3A_390 = arith.constant 0 : index
    %get3A_391 = arith.constant 0 : index
    %get3A_392 = arith.constant 0 : index
    %get3A_393 = vector.load %arg6[%get3A_390, %get3A_391, %get3A_392] : memref<8x195x13xf32, #tpu.memory_space<vmem>>, vector<1x195x13xf32>
    %get3A_394 = vector.shape_cast %get3A_393 : vector<1x195x13xf32> to vector<195x13xf32>
    %dot_general3A_395 = arith.constant dense<0.000000e+00> : vector<195x195xf32>
    %dot_general3A_396 = tpu.matmul %get3A_394, %convert_element_type3A_389, %dot_general3A_395 {dimension_numbers = #tpu.dot_dimension_numbers<[1], [0], [0], [1], [0, 0, 1, 1], [], []>, transpose_lhs_hint = false} : vector<195x13xf32>, vector<13x195xf32>, vector<195x195xf32> -> vector<195x195xf32>
    %mul3A_397 = arith.mulf %convert_element_type3A_363, %dot_general3A_396 : vector<195x195xf32>
    %get3A_398 = arith.constant 0 : index
    %get3A_399 = arith.constant 0 : index
    %get3A_400 = arith.constant 0 : index
    %get3A_401 = vector.load %arg3[%get3A_398, %get3A_399, %get3A_400] : memref<8x128x195xf32, #tpu.memory_space<vmem>>, vector<1x128x195xf32>
    %get3A_402 = vector.shape_cast %get3A_401 : vector<1x128x195xf32> to vector<128x195xf32>
    %get3A_403 = arith.constant 0 : index
    %get3A_404 = arith.constant 0 : index
    %get3A_405 = arith.constant 0 : index
    %get3A_406 = vector.load %arg4[%get3A_403, %get3A_404, %get3A_405] : memref<8x128x195xf32, #tpu.memory_space<vmem>>, vector<1x128x195xf32>
    %get3A_407 = vector.shape_cast %get3A_406 : vector<1x128x195xf32> to vector<128x195xf32>
    %dot_general3A_408 = arith.constant dense<0.000000e+00> : vector<128x195xf32>
    %dot_general3A_409 = tpu.matmul %get3A_402, %mul3A_397, %dot_general3A_408 {dimension_numbers = #tpu.dot_dimension_numbers<[1], [1], [0], [0], [0, 0, 1, 0], [], []>, transpose_lhs_hint = false} : vector<128x195xf32>, vector<195x195xf32>, vector<128x195xf32> -> vector<128x195xf32>
    %sub3A_410 = arith.subf %get3A_402, %dot_general3A_409 : vector<128x195xf32>
    %mul3A_411 = vector.broadcast %get3A_10 : f32 to vector<128x195xf32>
    %mul3A_412 = arith.mulf %mul3A_411, %sub3A_410 : vector<128x195xf32>
    %add3A_413 = arith.addf %dot_general3A_409, %mul3A_412 : vector<128x195xf32>
    %mul3A_414 = vector.broadcast %get3A_12 : f32 to vector<128x195xf32>
    %mul3A_415 = arith.mulf %mul3A_414, %sub3A_410 : vector<128x195xf32>
    %add3A_416 = arith.addf %dot_general3A_409, %mul3A_415 : vector<128x195xf32>
    %eq3A_417 = arith.constant 0.000000e+00 : f32
    %eq3A_418 = vector.broadcast %eq3A_417 : f32 to vector<128x195xf32>
    %eq3A_419 = arith.cmpf oeq, %add3A_416, %eq3A_418 : vector<128x195xf32>
    %jit3A_420 = arith.constant 9.99999997E-7 : f32
    %broadcast_in_dim3A_421 = vector.broadcast %jit3A_420 : f32 to vector<128x195xf32>
    %select_n3A_422 = arith.select %eq3A_419, %broadcast_in_dim3A_421, %add3A_416 : vector<128x195xi1>, vector<128x195xf32>
    %div3A_423 = arith.divf %get3A_407, %select_n3A_422 : vector<128x195xf32>
    %dot_general3A_424 = arith.constant dense<0.000000e+00> : vector<128x195xf32>
    %dot_general3A_425 = tpu.matmul %div3A_423, %mul3A_397, %dot_general3A_424 {dimension_numbers = #tpu.dot_dimension_numbers<[1], [0], [0], [1], [0, 0, 1, 1], [], []>, transpose_lhs_hint = false} : vector<128x195xf32>, vector<195x195xf32>, vector<128x195xf32> -> vector<128x195xf32>
    %sub3A_426 = arith.subf %div3A_423, %dot_general3A_425 : vector<128x195xf32>
    %mul3A_427 = vector.broadcast %get3A_14 : f32 to vector<128x195xf32>
    %mul3A_428 = arith.mulf %mul3A_427, %sub3A_426 : vector<128x195xf32>
    %add3A_429 = arith.addf %dot_general3A_425, %mul3A_428 : vector<128x195xf32>
    %mul3A_430 = arith.mulf %add3A_413, %add3A_429 : vector<128x195xf32>
    %get3A_431 = arith.constant 1 : index
    %get3A_432 = arith.constant 0 : index
    %get3A_433 = arith.constant 0 : index
    %get3A_434 = vector.load %arg6[%get3A_431, %get3A_432, %get3A_433] : memref<8x195x13xf32, #tpu.memory_space<vmem>>, vector<1x195x13xf32>
    %get3A_435 = vector.shape_cast %get3A_434 : vector<1x195x13xf32> to vector<195x13xf32>
    %dot_general3A_436 = arith.constant dense<0.000000e+00> : vector<195x195xf32>
    %dot_general3A_437 = tpu.matmul %get3A_435, %convert_element_type3A_389, %dot_general3A_436 {dimension_numbers = #tpu.dot_dimension_numbers<[1], [0], [0], [1], [0, 0, 1, 1], [], []>, transpose_lhs_hint = false} : vector<195x13xf32>, vector<13x195xf32>, vector<195x195xf32> -> vector<195x195xf32>
    %mul3A_438 = arith.mulf %convert_element_type3A_363, %dot_general3A_437 : vector<195x195xf32>
    %get3A_439 = arith.constant 1 : index
    %get3A_440 = arith.constant 0 : index
    %get3A_441 = arith.constant 0 : index
    %get3A_442 = vector.load %arg3[%get3A_439, %get3A_440, %get3A_441] : memref<8x128x195xf32, #tpu.memory_space<vmem>>, vector<1x128x195xf32>
    %get3A_443 = vector.shape_cast %get3A_442 : vector<1x128x195xf32> to vector<128x195xf32>
    %get3A_444 = arith.constant 1 : index
    %get3A_445 = arith.constant 0 : index
    %get3A_446 = arith.constant 0 : index
    %get3A_447 = vector.load %arg4[%get3A_444, %get3A_445, %get3A_446] : memref<8x128x195xf32, #tpu.memory_space<vmem>>, vector<1x128x195xf32>
    %get3A_448 = vector.shape_cast %get3A_447 : vector<1x128x195xf32> to vector<128x195xf32>
    %dot_general3A_449 = arith.constant dense<0.000000e+00> : vector<128x195xf32>
    %dot_general3A_450 = tpu.matmul %get3A_443, %mul3A_438, %dot_general3A_449 {dimension_numbers = #tpu.dot_dimension_numbers<[1], [1], [0], [0], [0, 0, 1, 0], [], []>, transpose_lhs_hint = false} : vector<128x195xf32>, vector<195x195xf32>, vector<128x195xf32> -> vector<128x195xf32>
    %sub3A_451 = arith.subf %get3A_443, %dot_general3A_450 : vector<128x195xf32>
    %mul3A_452 = vector.broadcast %get3A_28 : f32 to vector<128x195xf32>
    %mul3A_453 = arith.mulf %mul3A_452, %sub3A_451 : vector<128x195xf32>
    %add3A_454 = arith.addf %dot_general3A_450, %mul3A_453 : vector<128x195xf32>
    %mul3A_455 = vector.broadcast %get3A_30 : f32 to vector<128x195xf32>
    %mul3A_456 = arith.mulf %mul3A_455, %sub3A_451 : vector<128x195xf32>
    %add3A_457 = arith.addf %dot_general3A_450, %mul3A_456 : vector<128x195xf32>
    %eq3A_458 = arith.constant 0.000000e+00 : f32
    %eq3A_459 = vector.broadcast %eq3A_458 : f32 to vector<128x195xf32>
    %eq3A_460 = arith.cmpf oeq, %add3A_457, %eq3A_459 : vector<128x195xf32>
    %jit3A_461 = arith.constant 9.99999997E-7 : f32
    %broadcast_in_dim3A_462 = vector.broadcast %jit3A_461 : f32 to vector<128x195xf32>
    %select_n3A_463 = arith.select %eq3A_460, %broadcast_in_dim3A_462, %add3A_457 : vector<128x195xi1>, vector<128x195xf32>
    %div3A_464 = arith.divf %get3A_448, %select_n3A_463 : vector<128x195xf32>
    %dot_general3A_465 = arith.constant dense<0.000000e+00> : vector<128x195xf32>
    %dot_general3A_466 = tpu.matmul %div3A_464, %mul3A_438, %dot_general3A_465 {dimension_numbers = #tpu.dot_dimension_numbers<[1], [0], [0], [1], [0, 0, 1, 1], [], []>, transpose_lhs_hint = false} : vector<128x195xf32>, vector<195x195xf32>, vector<128x195xf32> -> vector<128x195xf32>
    %sub3A_467 = arith.subf %div3A_464, %dot_general3A_466 : vector<128x195xf32>
    %mul3A_468 = vector.broadcast %get3A_32 : f32 to vector<128x195xf32>
    %mul3A_469 = arith.mulf %mul3A_468, %sub3A_467 : vector<128x195xf32>
    %add3A_470 = arith.addf %dot_general3A_466, %mul3A_469 : vector<128x195xf32>
    %mul3A_471 = arith.mulf %add3A_454, %add3A_470 : vector<128x195xf32>
    %get3A_472 = arith.constant 2 : index
    %get3A_473 = arith.constant 0 : index
    %get3A_474 = arith.constant 0 : index
    %get3A_475 = vector.load %arg6[%get3A_472, %get3A_473, %get3A_474] : memref<8x195x13xf32, #tpu.memory_space<vmem>>, vector<1x195x13xf32>
    %get3A_476 = vector.shape_cast %get3A_475 : vector<1x195x13xf32> to vector<195x13xf32>
    %dot_general3A_477 = arith.constant dense<0.000000e+00> : vector<195x195xf32>
    %dot_general3A_478 = tpu.matmul %get3A_476, %convert_element_type3A_389, %dot_general3A_477 {dimension_numbers = #tpu.dot_dimension_numbers<[1], [0], [0], [1], [0, 0, 1, 1], [], []>, transpose_lhs_hint = false} : vector<195x13xf32>, vector<13x195xf32>, vector<195x195xf32> -> vector<195x195xf32>
    %mul3A_479 = arith.mulf %convert_element_type3A_363, %dot_general3A_478 : vector<195x195xf32>
    %get3A_480 = arith.constant 2 : index
    %get3A_481 = arith.constant 0 : index
    %get3A_482 = arith.constant 0 : index
    %get3A_483 = vector.load %arg3[%get3A_480, %get3A_481, %get3A_482] : memref<8x128x195xf32, #tpu.memory_space<vmem>>, vector<1x128x195xf32>
    %get3A_484 = vector.shape_cast %get3A_483 : vector<1x128x195xf32> to vector<128x195xf32>
    %get3A_485 = arith.constant 2 : index
    %get3A_486 = arith.constant 0 : index
    %get3A_487 = arith.constant 0 : index
    %get3A_488 = vector.load %arg4[%get3A_485, %get3A_486, %get3A_487] : memref<8x128x195xf32, #tpu.memory_space<vmem>>, vector<1x128x195xf32>
    %get3A_489 = vector.shape_cast %get3A_488 : vector<1x128x195xf32> to vector<128x195xf32>
    %dot_general3A_490 = arith.constant dense<0.000000e+00> : vector<128x195xf32>
    %dot_general3A_491 = tpu.matmul %get3A_484, %mul3A_479, %dot_general3A_490 {dimension_numbers = #tpu.dot_dimension_numbers<[1], [1], [0], [0], [0, 0, 1, 0], [], []>, transpose_lhs_hint = false} : vector<128x195xf32>, vector<195x195xf32>, vector<128x195xf32> -> vector<128x195xf32>
    %sub3A_492 = arith.subf %get3A_484, %dot_general3A_491 : vector<128x195xf32>
    %mul3A_493 = vector.broadcast %get3A_46 : f32 to vector<128x195xf32>
    %mul3A_494 = arith.mulf %mul3A_493, %sub3A_492 : vector<128x195xf32>
    %add3A_495 = arith.addf %dot_general3A_491, %mul3A_494 : vector<128x195xf32>
    %mul3A_496 = vector.broadcast %get3A_48 : f32 to vector<128x195xf32>
    %mul3A_497 = arith.mulf %mul3A_496, %sub3A_492 : vector<128x195xf32>
    %add3A_498 = arith.addf %dot_general3A_491, %mul3A_497 : vector<128x195xf32>
    %eq3A_499 = arith.constant 0.000000e+00 : f32
    %eq3A_500 = vector.broadcast %eq3A_499 : f32 to vector<128x195xf32>
    %eq3A_501 = arith.cmpf oeq, %add3A_498, %eq3A_500 : vector<128x195xf32>
    %jit3A_502 = arith.constant 9.99999997E-7 : f32
    %broadcast_in_dim3A_503 = vector.broadcast %jit3A_502 : f32 to vector<128x195xf32>
    %select_n3A_504 = arith.select %eq3A_501, %broadcast_in_dim3A_503, %add3A_498 : vector<128x195xi1>, vector<128x195xf32>
    %div3A_505 = arith.divf %get3A_489, %select_n3A_504 : vector<128x195xf32>
    %dot_general3A_506 = arith.constant dense<0.000000e+00> : vector<128x195xf32>
    %dot_general3A_507 = tpu.matmul %div3A_505, %mul3A_479, %dot_general3A_506 {dimension_numbers = #tpu.dot_dimension_numbers<[1], [0], [0], [1], [0, 0, 1, 1], [], []>, transpose_lhs_hint = false} : vector<128x195xf32>, vector<195x195xf32>, vector<128x195xf32> -> vector<128x195xf32>
    %sub3A_508 = arith.subf %div3A_505, %dot_general3A_507 : vector<128x195xf32>
    %mul3A_509 = vector.broadcast %get3A_50 : f32 to vector<128x195xf32>
    %mul3A_510 = arith.mulf %mul3A_509, %sub3A_508 : vector<128x195xf32>
    %add3A_511 = arith.addf %dot_general3A_507, %mul3A_510 : vector<128x195xf32>
    %mul3A_512 = arith.mulf %add3A_495, %add3A_511 : vector<128x195xf32>
    %get3A_513 = arith.constant 3 : index
    %get3A_514 = arith.constant 0 : index
    %get3A_515 = arith.constant 0 : index
    %get3A_516 = vector.load %arg6[%get3A_513, %get3A_514, %get3A_515] : memref<8x195x13xf32, #tpu.memory_space<vmem>>, vector<1x195x13xf32>
    %get3A_517 = vector.shape_cast %get3A_516 : vector<1x195x13xf32> to vector<195x13xf32>
    %dot_general3A_518 = arith.constant dense<0.000000e+00> : vector<195x195xf32>
    %dot_general3A_519 = tpu.matmul %get3A_517, %convert_element_type3A_389, %dot_general3A_518 {dimension_numbers = #tpu.dot_dimension_numbers<[1], [0], [0], [1], [0, 0, 1, 1], [], []>, transpose_lhs_hint = false} : vector<195x13xf32>, vector<13x195xf32>, vector<195x195xf32> -> vector<195x195xf32>
    %mul3A_520 = arith.mulf %convert_element_type3A_363, %dot_general3A_519 : vector<195x195xf32>
    %get3A_521 = arith.constant 3 : index
    %get3A_522 = arith.constant 0 : index
    %get3A_523 = arith.constant 0 : index
    %get3A_524 = vector.load %arg3[%get3A_521, %get3A_522, %get3A_523] : memref<8x128x195xf32, #tpu.memory_space<vmem>>, vector<1x128x195xf32>
    %get3A_525 = vector.shape_cast %get3A_524 : vector<1x128x195xf32> to vector<128x195xf32>
    %get3A_526 = arith.constant 3 : index
    %get3A_527 = arith.constant 0 : index
    %get3A_528 = arith.constant 0 : index
    %get3A_529 = vector.load %arg4[%get3A_526, %get3A_527, %get3A_528] : memref<8x128x195xf32, #tpu.memory_space<vmem>>, vector<1x128x195xf32>
    %get3A_530 = vector.shape_cast %get3A_529 : vector<1x128x195xf32> to vector<128x195xf32>
    %dot_general3A_531 = arith.constant dense<0.000000e+00> : vector<128x195xf32>
    %dot_general3A_532 = tpu.matmul %get3A_525, %mul3A_520, %dot_general3A_531 {dimension_numbers = #tpu.dot_dimension_numbers<[1], [1], [0], [0], [0, 0, 1, 0], [], []>, transpose_lhs_hint = false} : vector<128x195xf32>, vector<195x195xf32>, vector<128x195xf32> -> vector<128x195xf32>
    %sub3A_533 = arith.subf %get3A_525, %dot_general3A_532 : vector<128x195xf32>
    %mul3A_534 = vector.broadcast %get3A_64 : f32 to vector<128x195xf32>
    %mul3A_535 = arith.mulf %mul3A_534, %sub3A_533 : vector<128x195xf32>
    %add3A_536 = arith.addf %dot_general3A_532, %mul3A_535 : vector<128x195xf32>
    %mul3A_537 = vector.broadcast %get3A_66 : f32 to vector<128x195xf32>
    %mul3A_538 = arith.mulf %mul3A_537, %sub3A_533 : vector<128x195xf32>
    %add3A_539 = arith.addf %dot_general3A_532, %mul3A_538 : vector<128x195xf32>
    %eq3A_540 = arith.constant 0.000000e+00 : f32
    %eq3A_541 = vector.broadcast %eq3A_540 : f32 to vector<128x195xf32>
    %eq3A_542 = arith.cmpf oeq, %add3A_539, %eq3A_541 : vector<128x195xf32>
    %jit3A_543 = arith.constant 9.99999997E-7 : f32
    %broadcast_in_dim3A_544 = vector.broadcast %jit3A_543 : f32 to vector<128x195xf32>
    %select_n3A_545 = arith.select %eq3A_542, %broadcast_in_dim3A_544, %add3A_539 : vector<128x195xi1>, vector<128x195xf32>
    %div3A_546 = arith.divf %get3A_530, %select_n3A_545 : vector<128x195xf32>
    %dot_general3A_547 = arith.constant dense<0.000000e+00> : vector<128x195xf32>
    %dot_general3A_548 = tpu.matmul %div3A_546, %mul3A_520, %dot_general3A_547 {dimension_numbers = #tpu.dot_dimension_numbers<[1], [0], [0], [1], [0, 0, 1, 1], [], []>, transpose_lhs_hint = false} : vector<128x195xf32>, vector<195x195xf32>, vector<128x195xf32> -> vector<128x195xf32>
    %sub3A_549 = arith.subf %div3A_546, %dot_general3A_548 : vector<128x195xf32>
    %mul3A_550 = vector.broadcast %get3A_68 : f32 to vector<128x195xf32>
    %mul3A_551 = arith.mulf %mul3A_550, %sub3A_549 : vector<128x195xf32>
    %add3A_552 = arith.addf %dot_general3A_548, %mul3A_551 : vector<128x195xf32>
    %mul3A_553 = arith.mulf %add3A_536, %add3A_552 : vector<128x195xf32>
    %get3A_554 = arith.constant 4 : index
    %get3A_555 = arith.constant 0 : index
    %get3A_556 = arith.constant 0 : index
    %get3A_557 = vector.load %arg6[%get3A_554, %get3A_555, %get3A_556] : memref<8x195x13xf32, #tpu.memory_space<vmem>>, vector<1x195x13xf32>
    %get3A_558 = vector.shape_cast %get3A_557 : vector<1x195x13xf32> to vector<195x13xf32>
    %dot_general3A_559 = arith.constant dense<0.000000e+00> : vector<195x195xf32>
    %dot_general3A_560 = tpu.matmul %get3A_558, %convert_element_type3A_389, %dot_general3A_559 {dimension_numbers = #tpu.dot_dimension_numbers<[1], [0], [0], [1], [0, 0, 1, 1], [], []>, transpose_lhs_hint = false} : vector<195x13xf32>, vector<13x195xf32>, vector<195x195xf32> -> vector<195x195xf32>
    %mul3A_561 = arith.mulf %convert_element_type3A_363, %dot_general3A_560 : vector<195x195xf32>
    %get3A_562 = arith.constant 4 : index
    %get3A_563 = arith.constant 0 : index
    %get3A_564 = arith.constant 0 : index
    %get3A_565 = vector.load %arg3[%get3A_562, %get3A_563, %get3A_564] : memref<8x128x195xf32, #tpu.memory_space<vmem>>, vector<1x128x195xf32>
    %get3A_566 = vector.shape_cast %get3A_565 : vector<1x128x195xf32> to vector<128x195xf32>
    %get3A_567 = arith.constant 4 : index
    %get3A_568 = arith.constant 0 : index
    %get3A_569 = arith.constant 0 : index
    %get3A_570 = vector.load %arg4[%get3A_567, %get3A_568, %get3A_569] : memref<8x128x195xf32, #tpu.memory_space<vmem>>, vector<1x128x195xf32>
    %get3A_571 = vector.shape_cast %get3A_570 : vector<1x128x195xf32> to vector<128x195xf32>
    %dot_general3A_572 = arith.constant dense<0.000000e+00> : vector<128x195xf32>
    %dot_general3A_573 = tpu.matmul %get3A_566, %mul3A_561, %dot_general3A_572 {dimension_numbers = #tpu.dot_dimension_numbers<[1], [1], [0], [0], [0, 0, 1, 0], [], []>, transpose_lhs_hint = false} : vector<128x195xf32>, vector<195x195xf32>, vector<128x195xf32> -> vector<128x195xf32>
    %sub3A_574 = arith.subf %get3A_566, %dot_general3A_573 : vector<128x195xf32>
    %mul3A_575 = vector.broadcast %get3A_82 : f32 to vector<128x195xf32>
    %mul3A_576 = arith.mulf %mul3A_575, %sub3A_574 : vector<128x195xf32>
    %add3A_577 = arith.addf %dot_general3A_573, %mul3A_576 : vector<128x195xf32>
    %mul3A_578 = vector.broadcast %get3A_84 : f32 to vector<128x195xf32>
    %mul3A_579 = arith.mulf %mul3A_578, %sub3A_574 : vector<128x195xf32>
    %add3A_580 = arith.addf %dot_general3A_573, %mul3A_579 : vector<128x195xf32>
    %eq3A_581 = arith.constant 0.000000e+00 : f32
    %eq3A_582 = vector.broadcast %eq3A_581 : f32 to vector<128x195xf32>
    %eq3A_583 = arith.cmpf oeq, %add3A_580, %eq3A_582 : vector<128x195xf32>
    %jit3A_584 = arith.constant 9.99999997E-7 : f32
    %broadcast_in_dim3A_585 = vector.broadcast %jit3A_584 : f32 to vector<128x195xf32>
    %select_n3A_586 = arith.select %eq3A_583, %broadcast_in_dim3A_585, %add3A_580 : vector<128x195xi1>, vector<128x195xf32>
    %div3A_587 = arith.divf %get3A_571, %select_n3A_586 : vector<128x195xf32>
    %dot_general3A_588 = arith.constant dense<0.000000e+00> : vector<128x195xf32>
    %dot_general3A_589 = tpu.matmul %div3A_587, %mul3A_561, %dot_general3A_588 {dimension_numbers = #tpu.dot_dimension_numbers<[1], [0], [0], [1], [0, 0, 1, 1], [], []>, transpose_lhs_hint = false} : vector<128x195xf32>, vector<195x195xf32>, vector<128x195xf32> -> vector<128x195xf32>
    %sub3A_590 = arith.subf %div3A_587, %dot_general3A_589 : vector<128x195xf32>
    %mul3A_591 = vector.broadcast %get3A_86 : f32 to vector<128x195xf32>
    %mul3A_592 = arith.mulf %mul3A_591, %sub3A_590 : vector<128x195xf32>
    %add3A_593 = arith.addf %dot_general3A_589, %mul3A_592 : vector<128x195xf32>
    %mul3A_594 = arith.mulf %add3A_577, %add3A_593 : vector<128x195xf32>
    %get3A_595 = arith.constant 5 : index
    %get3A_596 = arith.constant 0 : index
    %get3A_597 = arith.constant 0 : index
    %get3A_598 = vector.load %arg6[%get3A_595, %get3A_596, %get3A_597] : memref<8x195x13xf32, #tpu.memory_space<vmem>>, vector<1x195x13xf32>
    %get3A_599 = vector.shape_cast %get3A_598 : vector<1x195x13xf32> to vector<195x13xf32>
    %dot_general3A_600 = arith.constant dense<0.000000e+00> : vector<195x195xf32>
    %dot_general3A_601 = tpu.matmul %get3A_599, %convert_element_type3A_389, %dot_general3A_600 {dimension_numbers = #tpu.dot_dimension_numbers<[1], [0], [0], [1], [0, 0, 1, 1], [], []>, transpose_lhs_hint = false} : vector<195x13xf32>, vector<13x195xf32>, vector<195x195xf32> -> vector<195x195xf32>
    %mul3A_602 = arith.mulf %convert_element_type3A_363, %dot_general3A_601 : vector<195x195xf32>
    %get3A_603 = arith.constant 5 : index
    %get3A_604 = arith.constant 0 : index
    %get3A_605 = arith.constant 0 : index
    %get3A_606 = vector.load %arg3[%get3A_603, %get3A_604, %get3A_605] : memref<8x128x195xf32, #tpu.memory_space<vmem>>, vector<1x128x195xf32>
    %get3A_607 = vector.shape_cast %get3A_606 : vector<1x128x195xf32> to vector<128x195xf32>
    %get3A_608 = arith.constant 5 : index
    %get3A_609 = arith.constant 0 : index
    %get3A_610 = arith.constant 0 : index
    %get3A_611 = vector.load %arg4[%get3A_608, %get3A_609, %get3A_610] : memref<8x128x195xf32, #tpu.memory_space<vmem>>, vector<1x128x195xf32>
    %get3A_612 = vector.shape_cast %get3A_611 : vector<1x128x195xf32> to vector<128x195xf32>
    %dot_general3A_613 = arith.constant dense<0.000000e+00> : vector<128x195xf32>
    %dot_general3A_614 = tpu.matmul %get3A_607, %mul3A_602, %dot_general3A_613 {dimension_numbers = #tpu.dot_dimension_numbers<[1], [1], [0], [0], [0, 0, 1, 0], [], []>, transpose_lhs_hint = false} : vector<128x195xf32>, vector<195x195xf32>, vector<128x195xf32> -> vector<128x195xf32>
    %sub3A_615 = arith.subf %get3A_607, %dot_general3A_614 : vector<128x195xf32>
    %mul3A_616 = vector.broadcast %get3A_100 : f32 to vector<128x195xf32>
    %mul3A_617 = arith.mulf %mul3A_616, %sub3A_615 : vector<128x195xf32>
    %add3A_618 = arith.addf %dot_general3A_614, %mul3A_617 : vector<128x195xf32>
    %mul3A_619 = vector.broadcast %get3A_102 : f32 to vector<128x195xf32>
    %mul3A_620 = arith.mulf %mul3A_619, %sub3A_615 : vector<128x195xf32>
    %add3A_621 = arith.addf %dot_general3A_614, %mul3A_620 : vector<128x195xf32>
    %eq3A_622 = arith.constant 0.000000e+00 : f32
    %eq3A_623 = vector.broadcast %eq3A_622 : f32 to vector<128x195xf32>
    %eq3A_624 = arith.cmpf oeq, %add3A_621, %eq3A_623 : vector<128x195xf32>
    %jit3A_625 = arith.constant 9.99999997E-7 : f32
    %broadcast_in_dim3A_626 = vector.broadcast %jit3A_625 : f32 to vector<128x195xf32>
    %select_n3A_627 = arith.select %eq3A_624, %broadcast_in_dim3A_626, %add3A_621 : vector<128x195xi1>, vector<128x195xf32>
    %div3A_628 = arith.divf %get3A_612, %select_n3A_627 : vector<128x195xf32>
    %dot_general3A_629 = arith.constant dense<0.000000e+00> : vector<128x195xf32>
    %dot_general3A_630 = tpu.matmul %div3A_628, %mul3A_602, %dot_general3A_629 {dimension_numbers = #tpu.dot_dimension_numbers<[1], [0], [0], [1], [0, 0, 1, 1], [], []>, transpose_lhs_hint = false} : vector<128x195xf32>, vector<195x195xf32>, vector<128x195xf32> -> vector<128x195xf32>
    %sub3A_631 = arith.subf %div3A_628, %dot_general3A_630 : vector<128x195xf32>
    %mul3A_632 = vector.broadcast %get3A_104 : f32 to vector<128x195xf32>
    %mul3A_633 = arith.mulf %mul3A_632, %sub3A_631 : vector<128x195xf32>
    %add3A_634 = arith.addf %dot_general3A_630, %mul3A_633 : vector<128x195xf32>
    %mul3A_635 = arith.mulf %add3A_618, %add3A_634 : vector<128x195xf32>
    %get3A_636 = arith.constant 6 : index
    %get3A_637 = arith.constant 0 : index
    %get3A_638 = arith.constant 0 : index
    %get3A_639 = vector.load %arg6[%get3A_636, %get3A_637, %get3A_638] : memref<8x195x13xf32, #tpu.memory_space<vmem>>, vector<1x195x13xf32>
    %get3A_640 = vector.shape_cast %get3A_639 : vector<1x195x13xf32> to vector<195x13xf32>
    %dot_general3A_641 = arith.constant dense<0.000000e+00> : vector<195x195xf32>
    %dot_general3A_642 = tpu.matmul %get3A_640, %convert_element_type3A_389, %dot_general3A_641 {dimension_numbers = #tpu.dot_dimension_numbers<[1], [0], [0], [1], [0, 0, 1, 1], [], []>, transpose_lhs_hint = false} : vector<195x13xf32>, vector<13x195xf32>, vector<195x195xf32> -> vector<195x195xf32>
    %mul3A_643 = arith.mulf %convert_element_type3A_363, %dot_general3A_642 : vector<195x195xf32>
    %get3A_644 = arith.constant 6 : index
    %get3A_645 = arith.constant 0 : index
    %get3A_646 = arith.constant 0 : index
    %get3A_647 = vector.load %arg3[%get3A_644, %get3A_645, %get3A_646] : memref<8x128x195xf32, #tpu.memory_space<vmem>>, vector<1x128x195xf32>
    %get3A_648 = vector.shape_cast %get3A_647 : vector<1x128x195xf32> to vector<128x195xf32>
    %get3A_649 = arith.constant 6 : index
    %get3A_650 = arith.constant 0 : index
    %get3A_651 = arith.constant 0 : index
    %get3A_652 = vector.load %arg4[%get3A_649, %get3A_650, %get3A_651] : memref<8x128x195xf32, #tpu.memory_space<vmem>>, vector<1x128x195xf32>
    %get3A_653 = vector.shape_cast %get3A_652 : vector<1x128x195xf32> to vector<128x195xf32>
    %dot_general3A_654 = arith.constant dense<0.000000e+00> : vector<128x195xf32>
    %dot_general3A_655 = tpu.matmul %get3A_648, %mul3A_643, %dot_general3A_654 {dimension_numbers = #tpu.dot_dimension_numbers<[1], [1], [0], [0], [0, 0, 1, 0], [], []>, transpose_lhs_hint = false} : vector<128x195xf32>, vector<195x195xf32>, vector<128x195xf32> -> vector<128x195xf32>
    %sub3A_656 = arith.subf %get3A_648, %dot_general3A_655 : vector<128x195xf32>
    %mul3A_657 = vector.broadcast %get3A_118 : f32 to vector<128x195xf32>
    %mul3A_658 = arith.mulf %mul3A_657, %sub3A_656 : vector<128x195xf32>
    %add3A_659 = arith.addf %dot_general3A_655, %mul3A_658 : vector<128x195xf32>
    %mul3A_660 = vector.broadcast %get3A_120 : f32 to vector<128x195xf32>
    %mul3A_661 = arith.mulf %mul3A_660, %sub3A_656 : vector<128x195xf32>
    %add3A_662 = arith.addf %dot_general3A_655, %mul3A_661 : vector<128x195xf32>
    %eq3A_663 = arith.constant 0.000000e+00 : f32
    %eq3A_664 = vector.broadcast %eq3A_663 : f32 to vector<128x195xf32>
    %eq3A_665 = arith.cmpf oeq, %add3A_662, %eq3A_664 : vector<128x195xf32>
    %jit3A_666 = arith.constant 9.99999997E-7 : f32
    %broadcast_in_dim3A_667 = vector.broadcast %jit3A_666 : f32 to vector<128x195xf32>
    %select_n3A_668 = arith.select %eq3A_665, %broadcast_in_dim3A_667, %add3A_662 : vector<128x195xi1>, vector<128x195xf32>
    %div3A_669 = arith.divf %get3A_653, %select_n3A_668 : vector<128x195xf32>
    %dot_general3A_670 = arith.constant dense<0.000000e+00> : vector<128x195xf32>
    %dot_general3A_671 = tpu.matmul %div3A_669, %mul3A_643, %dot_general3A_670 {dimension_numbers = #tpu.dot_dimension_numbers<[1], [0], [0], [1], [0, 0, 1, 1], [], []>, transpose_lhs_hint = false} : vector<128x195xf32>, vector<195x195xf32>, vector<128x195xf32> -> vector<128x195xf32>
    %sub3A_672 = arith.subf %div3A_669, %dot_general3A_671 : vector<128x195xf32>
    %mul3A_673 = vector.broadcast %get3A_122 : f32 to vector<128x195xf32>
    %mul3A_674 = arith.mulf %mul3A_673, %sub3A_672 : vector<128x195xf32>
    %add3A_675 = arith.addf %dot_general3A_671, %mul3A_674 : vector<128x195xf32>
    %mul3A_676 = arith.mulf %add3A_659, %add3A_675 : vector<128x195xf32>
    %get3A_677 = arith.constant 7 : index
    %get3A_678 = arith.constant 0 : index
    %get3A_679 = arith.constant 0 : index
    %get3A_680 = vector.load %arg6[%get3A_677, %get3A_678, %get3A_679] : memref<8x195x13xf32, #tpu.memory_space<vmem>>, vector<1x195x13xf32>
    %get3A_681 = vector.shape_cast %get3A_680 : vector<1x195x13xf32> to vector<195x13xf32>
    %dot_general3A_682 = arith.constant dense<0.000000e+00> : vector<195x195xf32>
    %dot_general3A_683 = tpu.matmul %get3A_681, %convert_element_type3A_389, %dot_general3A_682 {dimension_numbers = #tpu.dot_dimension_numbers<[1], [0], [0], [1], [0, 0, 1, 1], [], []>, transpose_lhs_hint = false} : vector<195x13xf32>, vector<13x195xf32>, vector<195x195xf32> -> vector<195x195xf32>
    %mul3A_684 = arith.mulf %convert_element_type3A_363, %dot_general3A_683 : vector<195x195xf32>
    %get3A_685 = arith.constant 7 : index
    %get3A_686 = arith.constant 0 : index
    %get3A_687 = arith.constant 0 : index
    %get3A_688 = vector.load %arg3[%get3A_685, %get3A_686, %get3A_687] : memref<8x128x195xf32, #tpu.memory_space<vmem>>, vector<1x128x195xf32>
    %get3A_689 = vector.shape_cast %get3A_688 : vector<1x128x195xf32> to vector<128x195xf32>
    %get3A_690 = arith.constant 7 : index
    %get3A_691 = arith.constant 0 : index
    %get3A_692 = arith.constant 0 : index
    %get3A_693 = vector.load %arg4[%get3A_690, %get3A_691, %get3A_692] : memref<8x128x195xf32, #tpu.memory_space<vmem>>, vector<1x128x195xf32>
    %get3A_694 = vector.shape_cast %get3A_693 : vector<1x128x195xf32> to vector<128x195xf32>
    %dot_general3A_695 = arith.constant dense<0.000000e+00> : vector<128x195xf32>
    %dot_general3A_696 = tpu.matmul %get3A_689, %mul3A_684, %dot_general3A_695 {dimension_numbers = #tpu.dot_dimension_numbers<[1], [1], [0], [0], [0, 0, 1, 0], [], []>, transpose_lhs_hint = false} : vector<128x195xf32>, vector<195x195xf32>, vector<128x195xf32> -> vector<128x195xf32>
    %sub3A_697 = arith.subf %get3A_689, %dot_general3A_696 : vector<128x195xf32>
    %mul3A_698 = vector.broadcast %get3A_136 : f32 to vector<128x195xf32>
    %mul3A_699 = arith.mulf %mul3A_698, %sub3A_697 : vector<128x195xf32>
    %add3A_700 = arith.addf %dot_general3A_696, %mul3A_699 : vector<128x195xf32>
    %mul3A_701 = vector.broadcast %get3A_138 : f32 to vector<128x195xf32>
    %mul3A_702 = arith.mulf %mul3A_701, %sub3A_697 : vector<128x195xf32>
    %add3A_703 = arith.addf %dot_general3A_696, %mul3A_702 : vector<128x195xf32>
    %eq3A_704 = arith.constant 0.000000e+00 : f32
    %eq3A_705 = vector.broadcast %eq3A_704 : f32 to vector<128x195xf32>
    %eq3A_706 = arith.cmpf oeq, %add3A_703, %eq3A_705 : vector<128x195xf32>
    %jit3A_707 = arith.constant 9.99999997E-7 : f32
    %broadcast_in_dim3A_708 = vector.broadcast %jit3A_707 : f32 to vector<128x195xf32>
    %select_n3A_709 = arith.select %eq3A_706, %broadcast_in_dim3A_708, %add3A_703 : vector<128x195xi1>, vector<128x195xf32>
    %div3A_710 = arith.divf %get3A_694, %select_n3A_709 : vector<128x195xf32>
    %dot_general3A_711 = arith.constant dense<0.000000e+00> : vector<128x195xf32>
    %dot_general3A_712 = tpu.matmul %div3A_710, %mul3A_684, %dot_general3A_711 {dimension_numbers = #tpu.dot_dimension_numbers<[1], [0], [0], [1], [0, 0, 1, 1], [], []>, transpose_lhs_hint = false} : vector<128x195xf32>, vector<195x195xf32>, vector<128x195xf32> -> vector<128x195xf32>
    %sub3A_713 = arith.subf %div3A_710, %dot_general3A_712 : vector<128x195xf32>
    %mul3A_714 = vector.broadcast %get3A_140 : f32 to vector<128x195xf32>
    %mul3A_715 = arith.mulf %mul3A_714, %sub3A_713 : vector<128x195xf32>
    %add3A_716 = arith.addf %dot_general3A_712, %mul3A_715 : vector<128x195xf32>
    %mul3A_717 = arith.mulf %add3A_700, %add3A_716 : vector<128x195xf32>
    %concatenate3A = tpu.concatenate %mul3A_430, %mul3A_471, %mul3A_512, %mul3A_553, %mul3A_594, %mul3A_635, %mul3A_676, %mul3A_717 in 0 : vector<128x195xf32>, vector<128x195xf32>, vector<128x195xf32>, vector<128x195xf32>, vector<128x195xf32>, vector<128x195xf32>, vector<128x195xf32>, vector<128x195xf32> -> vector<1024x195xf32>
    %iota3A_718 = tpu.iota {dimensions = array<i32: 0>} : vector<195x15xi32>
    %iota3A_719 = tpu.iota {dimensions = array<i32: 1>} : vector<195x15xi32>
    %jit3A_720 = arith.constant 13 : i32
    %div3A_721 = vector.broadcast %jit3A_720 : i32 to vector<195x15xi32>
    %div3A_722 = arith.divsi %iota3A_718, %div3A_721 : vector<195x15xi32>
    %sign3A_723 = arith.constant 0 : i32
    %sign3A_724 = vector.broadcast %sign3A_723 : i32 to vector<195x15xi32>
    %sign3A_725 = arith.cmpi sgt, %iota3A_718, %sign3A_724 : vector<195x15xi32>
    %sign3A_726 = arith.extui %sign3A_725 : vector<195x15xi1> to vector<195x15xi32>
    %sign3A_727 = arith.constant 0 : i32
    %sign3A_728 = vector.broadcast %sign3A_727 : i32 to vector<195x15xi32>
    %sign3A_729 = arith.cmpi slt, %iota3A_718, %sign3A_728 : vector<195x15xi32>
    %sign3A_730 = arith.extui %sign3A_729 : vector<195x15xi1> to vector<195x15xi32>
    %sign3A_731 = arith.subi %sign3A_726, %sign3A_730 : vector<195x15xi32>
    %sign3A_732 = arith.constant 0 : i32
    %sign3A_733 = arith.cmpi sgt, %jit3A_720, %sign3A_732 : i32
    %sign3A_734 = arith.extui %sign3A_733 : i1 to i32
    %sign3A_735 = arith.constant 0 : i32
    %sign3A_736 = arith.cmpi slt, %jit3A_720, %sign3A_735 : i32
    %sign3A_737 = arith.extui %sign3A_736 : i1 to i32
    %sign3A_738 = arith.subi %sign3A_734, %sign3A_737 : i32
    %ne3A_739 = vector.broadcast %sign3A_738 : i32 to vector<195x15xi32>
    %ne3A_740 = arith.cmpi ne, %sign3A_731, %ne3A_739 : vector<195x15xi32>
    %rem3A_741 = vector.broadcast %jit3A_720 : i32 to vector<195x15xi32>
    %rem3A_742 = arith.remsi %iota3A_718, %rem3A_741 : vector<195x15xi32>
    %ne3A_743 = arith.constant 0 : i32
    %ne3A_744 = vector.broadcast %ne3A_743 : i32 to vector<195x15xi32>
    %ne3A_745 = arith.cmpi ne, %rem3A_742, %ne3A_744 : vector<195x15xi32>
    %and3A_746 = arith.andi %ne3A_740, %ne3A_745 : vector<195x15xi1>
    %sub3A_747 = arith.constant 1 : i32
    %sub3A_748 = vector.broadcast %sub3A_747 : i32 to vector<195x15xi32>
    %sub3A_749 = arith.subi %div3A_722, %sub3A_748 : vector<195x15xi32>
    %select_n3A_750 = arith.select %and3A_746, %sub3A_749, %div3A_722 : vector<195x15xi1>, vector<195x15xi32>
    %eq3A_751 = arith.cmpi eq, %select_n3A_750, %iota3A_719 : vector<195x15xi32>
    %convert_element_type3A_752 = arith.extui %eq3A_751 : vector<195x15xi1> to vector<195x15xi32>
    %convert_element_type3A_753 = arith.sitofp %convert_element_type3A_752 : vector<195x15xi32> to vector<195x15xf32>
    %dot_general3A_754 = arith.constant dense<0.000000e+00> : vector<1024x15xf32>
    %dot_general3A_755 = tpu.matmul %concatenate3A, %convert_element_type3A_753, %dot_general3A_754 {dimension_numbers = #tpu.dot_dimension_numbers<[1], [0], [0], [1], [0, 0, 1, 1], [], []>, transpose_lhs_hint = false} : vector<1024x195xf32>, vector<195x15xf32>, vector<1024x15xf32> -> vector<1024x15xf32>
    %dot_general3A_756 = arith.constant dense<0.000000e+00> : vector<1024x195xf32>
    %dot_general3A_757 = tpu.matmul %dot_general3A_755, %convert_element_type3A_753, %dot_general3A_756 {dimension_numbers = #tpu.dot_dimension_numbers<[1], [1], [0], [0], [0, 0, 1, 0], [], []>, transpose_lhs_hint = false} : vector<1024x15xf32>, vector<195x15xf32>, vector<1024x195xf32> -> vector<1024x195xf32>
    %eq3A_758 = arith.constant 0.000000e+00 : f32
    %eq3A_759 = vector.broadcast %eq3A_758 : f32 to vector<1024x195xf32>
    %eq3A_760 = arith.cmpf oeq, %dot_general3A_757, %eq3A_759 : vector<1024x195xf32>
    %jit3A_761 = arith.constant 9.99999974E-6 : f32
    %broadcast_in_dim3A_762 = vector.broadcast %jit3A_761 : f32 to vector<1024x195xf32>
    %select_n3A_763 = arith.select %eq3A_760, %broadcast_in_dim3A_762, %concatenate3A : vector<1024x195xi1>, vector<1024x195xf32>
    %eq3A_764 = arith.constant 0.000000e+00 : f32
    %eq3A_765 = vector.broadcast %eq3A_764 : f32 to vector<1024x195xf32>
    %eq3A_766 = arith.cmpf oeq, %dot_general3A_757, %eq3A_765 : vector<1024x195xf32>
    %jit3A_767 = arith.constant 1.300000e-04 : f32
    %broadcast_in_dim3A_768 = vector.broadcast %jit3A_767 : f32 to vector<1024x195xf32>
    %select_n3A_769 = arith.select %eq3A_766, %broadcast_in_dim3A_768, %dot_general3A_757 : vector<1024x195xi1>, vector<1024x195xf32>
    %div3A_770 = arith.divf %select_n3A_763, %select_n3A_769 : vector<1024x195xf32>
    %reshape3A_771 = vector.shape_cast %div3A_770 : vector<1024x195xf32> to vector<8x128x195xf32>
    %swap3A_772 = arith.constant 0 : index
    %swap3A_773 = arith.constant 0 : index
    %swap3A_774 = arith.constant 94 : index
    %swap3A_775 = vector.load %arg11[%swap3A_772, %swap3A_773, %swap3A_774] : memref<8x128x289xf32, #tpu.memory_space<vmem>>, vector<8x128x195xf32>
    tpu.vector_store %arg11[%swap3A_772, %swap3A_773, %swap3A_774], %reshape3A_771 {strides = array<i32>} : memref<8x128x289xf32, #tpu.memory_space<vmem>>, vector<8x128x195xf32>,
    return
  }
  func.func @transform_0(%arg0: i32) -> (i32, i32, i32) {
    %c0_i32 = arith.constant 0 : i32
    %c0_i32_0 = arith.constant 0 : i32
    %c0_i32_1 = arith.constant 0 : i32
    return %arg0, %c0_i32, %c0_i32_0 : i32, i32, i32
  }
  func.func @transform_1(%arg0: i32) -> (i32, i32, i32) {
    %c0_i32 = arith.constant 0 : i32
    %c0_i32_0 = arith.constant 0 : i32
    %c0_i32_1 = arith.constant 0 : i32
    return %arg0, %c0_i32, %c0_i32_0 : i32, i32, i32
  }
  func.func @transform_2(%arg0: i32) -> (i32, i32, i32) {
    %c0_i32 = arith.constant 0 : i32
    %c0_i32_0 = arith.constant 0 : i32
    %c0_i32_1 = arith.constant 0 : i32
    return %arg0, %c0_i32, %c0_i32_0 : i32, i32, i32
  }
  func.func @transform_3(%arg0: i32) -> (i32, i32, i32) {
    %c0_i32 = arith.constant 0 : i32
    %c0_i32_0 = arith.constant 0 : i32
    %c0_i32_1 = arith.constant 0 : i32
    return %arg0, %c0_i32, %c0_i32_0 : i32, i32, i32
  }
  func.func @transform_4(%arg0: i32) -> (i32, i32) {
    %c0_i32 = arith.constant 0 : i32
    %c0_i32_0 = arith.constant 0 : i32
    %c0_i32_1 = arith.constant 0 : i32
    return %c0_i32, %c0_i32_0 : i32, i32
  }
  func.func @transform_5(%arg0: i32) -> (i32, i32, i32) {
    %c0_i32 = arith.constant 0 : i32
    %c0_i32_0 = arith.constant 0 : i32
    %c0_i32_1 = arith.constant 0 : i32
    return %arg0, %c0_i32, %c0_i32_0 : i32, i32, i32
  }
  func.func @transform_6(%arg0: i32) -> i32 {
    %c0_i32 = arith.constant 0 : i32
    %c0_i32_0 = arith.constant 0 : i32
    return %c0_i32 : i32
  }
  func.func @transform_7(%arg0: i32) -> i32 {
    %c0_i32 = arith.constant 0 : i32
    %c0_i32_0 = arith.constant 0 : i32
    return %c0_i32 : i32
  }
  func.func @transform_8(%arg0: i32) -> i32 {
    %c0_i32 = arith.constant 0 : i32
    %c0_i32_0 = arith.constant 0 : i32
    return %c0_i32 : i32
  }
  func.func @transform_9(%arg0: i32) -> i32 {
    %c0_i32 = arith.constant 0 : i32
    %c0_i32_0 = arith.constant 0 : i32
    return %c0_i32 : i32
  }
  func.func @transform_10(%arg0: i32) -> (i32, i32, i32) {
    %c0_i32 = arith.constant 0 : i32
    %c0_i32_0 = arith.constant 0 : i32
    %c0_i32_1 = arith.constant 0 : i32
    return %arg0, %c0_i32, %c0_i32_0 : i32, i32, i32
  }
}

</mosaic_0001>

<sc_bundles>
// kernel: kernel.4.cloned.1.call-start
scs
__scs_entry_jumppad:
0x0: {  	(pc) =	sbr.rel $0x88, $3  }
0x1: {  	(tag) =	ssettag $0x0;
	lr =	simm.s32 $0x1  }
0x2: {  	[smem:$0x3F96] =	sst lr;
	_ =	strace $0xD0000000  }
0x3: {  	_ = 	snop  }
0x4: {  	_ = 	snop  }
0x5: {  	_ = 	snop  }
0x6: {  	_ = 	snop  }
0x7: {  	_ = 	snop  }
__scs_overlays_trampoline_lowered:
0x8: {  	[smem:$0x3FA5] =	sst s0  }
0x9: {  	[smem:$0x3FA6] =	sst s1  }
0xa: {  	[smem:$0x3FA7] =	sst s2  }
0xb: {  	[smem:$0x3FA8] =	sst s3  }
0xc: {  	[smem:$0x3FA9] =	sst s4  }
0xd: {  	[smem:$0x3FAA] =	sst s5  }
0xe: {  	[smem:$0x3FAB] =	sst s6  }
0xf: {  	[smem:$0x3FAC] =	sst s7  }
0x10: {  	[smem:$0x3FAD] =	sst s8  }
0x11: {  	[smem:$0x3FAE] =	sst s9;
	s0 =	simm.s32 @!p0 $0x0  }
0x12: {  	s1 =	sld [smem:$0x3F94];
	s0 =	simm.s32 @p0 $0x1  }
0x13: {  	[smem:$0x3FAF] =	sst s0;
	s0 =	simm.s32 @!p1 $0x0  }
0x14: {  	s2 =	sld [smem:$0x3F93];
	s0 =	simm.s32 @p1 $0x1  }
0x15: {  	[smem:$0x3FB0] =	sst s0;
	s0 =	simm.s32 @!p2 $0x0  }
0x16: {  	s3 =	sld [smem:$0x3FDB];
	s0 =	simm.s32 @p2 $0x1  }
0x17: {  	s4 =	simm.s32 $0x1BF5;
	[smem:$0x3FB2] =	sst s0  }
0x18: {  	s0 =	sld [smem:$0x3F95];
	_ =	swait.ge [sflag:s4], $0x0  }
0x19: {  	s7 =	sld [smem:$0x3F96]  }
0x1a: {  	s8 =	sadd.s32 $0xFFFFE003, lr  }
0x1b: {  	s9 =	sadd.s32 $0xFFFFFEF7, lr;
	s5 =	simm.s32 $0xFFFFFFFF;
	p2 =	slt.u32 s8, $0xFFFFF086  }
0x1c: {  	p1 =	slt.u32 s9, $0xF7A;
	s5 =	simm.s32 @!p2 $0x0  }
0x1d: {  	s5 =	simm.s32 @p1 $0x1;
	p0 =	seq.s32 s7, s2  }
0x1e: {  	s7 =	smul.u32 @!p0 $0xF7A, s2;
	p2 =	seq.s32 @!p0 s5, $0x0  }
0x1f: {  	s9 =	smul.u32 $0xF7A, s1;
	s8 =	simm.s32 @!p0 $0x1BF5;
	p2 =	por !p2, p0  }
0x20: {  	[sflag:s8] =	ssyncset.s32 @!p0 $0xFFFFF086;
	s6 =	sadd.s32 @!p0 s3, s7;
	s7 =	simm.s32 @!p0 $0x108  }
0x21: {  	s3 =	sadd.s32 s3, s9;
	s6 =	sadd.s32 @!p0 $0x88, s6;
	s7 =	simm.s32 @p2 $0x1082  }
0x22: {  	[simem:s7], [sflag:s8] =	dma.local @!p0 [hbm:s6], $0xF7A  }
0x23: {  	s9 =	sor.u32 $0xD0000000, s2;
	s6 =	simm.s32 $0x108;
	_ =	swait.ge @!p0 [sflag:s8], $0x0  }
0x24: {  	s3 =	sadd.s32 $0x88, s3;
	s6 =	simm.s32 @!p1 $0x1082;
	[sflag:s4] =	ssyncset.s32 $0xFFFFF086  }
0x25: {  	[simem:s6], [sflag:s4] =	dma.local [hbm:s3], $0xF7A  }
0x26: {  	[smem:$0x3F96] =	sst s1;
	(tag) =	ssettag s2;
	_ =	strace s9  }
0x27: {  	s1 =	sld [smem:$0x3FA6]  }
0x28: {  	s2 =	sld [smem:$0x3FA7]  }
0x29: {  	s4 =	sld [smem:$0x3FA9]  }
0x2a: {  	p0 =	seq.s32 s5, $0x0;
	s5 =	sld [smem:$0x3FAA]  }
0x2b: {  	s6 =	sld [smem:$0x3FAB]  }
0x2c: {  	s7 =	sld [smem:$0x3FAC]  }
0x2d: {  	s3 =	simm.s32 $0x108;
	s8 =	sld [smem:$0x3FAD]  }
0x2e: {  	s3 =	simm.s32 @!p0 $0x1082;
	s9 =	sld [smem:$0x3FAE]  }
0x2f: {  	lr =	sadd.s32 s0, s3;
	s0 =	sld [smem:$0x3FA5]  }
0x30: {  	s3 =	sld [smem:$0x3FA8]  }
0x31: {  	[smem:$0x3FB1] =	sst s10  }
0x32: {  	s10 =	sld [smem:$0x3FAF];
	_ =	sdelay $0x3  }
0x33: {  	p0 =	seq.s32 s10, $0x1;
	s10 =	sld [smem:$0x3FB1];
	_ =	sdelay $0x3  }
0x34: {  	[smem:$0x3FB1] =	sst s10  }
0x35: {  	s10 =	sld [smem:$0x3FB0];
	_ =	sdelay $0x3  }
0x36: {  	p1 =	seq.s32 s10, $0x1;
	s10 =	sld [smem:$0x3FB1];
	_ =	sdelay $0x3  }
0x37: {  	[smem:$0x3FB1] =	sst s10  }
0x38: {  	s10 =	sld [smem:$0x3FB2]  }
0x39: {  	_ = 	snop;
	(pc) =	sbr.ind lr, $3  }
0x3a: {  	_ = 	snop  }
0x3b: {  	_ = 	snop  }
0x3c: {  	p2 =	seq.s32 s10, $0x1;
	s10 =	sld [smem:$0x3FB1]  }
0x3d: {  	_ =	shalt  }
0x3e: {  	_ =	shalt  }
0x3f: {  	_ =	shalt  }
0x40: {  	_ =	shalt  }
0x41: {  	_ =	shalt  }
0x42: {  	_ =	shalt  }
0x43: {  	_ =	shalt  }
0x44: {  	_ =	shalt  }
0x45: {  	_ =	shalt  }
0x46: {  	_ =	shalt  }
0x47: {  	_ =	shalt  }
0x48: {  	_ =	shalt  }
0x49: {  	_ =	shalt  }
0x4a: {  	_ =	shalt  }
0x4b: {  	_ =	shalt  }
0x4c: {  	_ =	shalt  }
0x4d: {  	_ =	shalt  }
0x4e: {  	_ =	shalt  }
0x4f: {  	_ =	shalt  }
0x50: {  	_ =	shalt  }
0x51: {  	_ =	shalt  }
0x52: {  	_ =	shalt  }
0x53: {  	_ =	shalt  }
0x54: {  	_ =	shalt  }
0x55: {  	_ =	shalt  }
0x56: {  	_ =	shalt  }
0x57: {  	_ =	shalt  }
0x58: {  	_ =	shalt  }
0x59: {  	_ =	shalt  }
0x5a: {  	_ =	shalt  }
0x5b: {  	_ =	shalt  }
0x5c: {  	_ =	shalt  }
0x5d: {  	_ =	shalt  }
0x5e: {  	_ =	shalt  }
0x5f: {  	_ =	shalt  }
0x60: {  	_ =	shalt  }
0x61: {  	_ =	shalt  }
0x62: {  	_ =	shalt  }
0x63: {  	_ =	shalt  }
0x64: {  	_ =	shalt  }
0x65: {  	_ =	shalt  }
0x66: {  	_ =	shalt  }
0x67: {  	_ =	shalt  }
0x68: {  	_ =	shalt  }
0x69: {  	_ =	shalt  }
0x6a: {  	_ =	shalt  }
0x6b: {  	_ =	shalt  }
0x6c: {  	_ =	shalt  }
0x6d: {  	_ =	shalt  }
0x6e: {  	_ =	shalt  }
0x6f: {  	_ =	shalt  }
0x70: {  	_ =	shalt  }
0x71: {  	_ =	shalt  }
0x72: {  	_ =	shalt  }
0x73: {  	_ =	shalt  }
0x74: {  	_ =	shalt  }
0x75: {  	_ =	shalt  }
0x76: {  	_ =	shalt  }
0x77: {  	_ =	shalt  }
0x78: {  	_ =	shalt  }
0x79: {  	_ =	shalt  }
0x7a: {  	_ =	shalt  }
0x7b: {  	_ =	shalt  }
0x7c: {  	_ =	shalt  }
0x7d: {  	_ =	shalt  }
0x7e: {  	_ =	shalt  }
0x7f: {  	_ =	shalt  }
0x80: {  	_ =	shalt  }
0x81: {  	_ =	shalt  }
0x82: {  	_ =	shalt  }
0x83: {  	_ =	shalt  }
0x84: {  	_ =	shalt  }
0x85: {  	_ =	shalt  }
0x86: {  	_ =	shalt  }
0x87: {  	_ =	shalt  }
.Lfunc_end0:
.L_simem_size_0:
called_computation_lowered:
.L_overlay_start_0:
0x88: {  	s2 =	sld [smem:$0x3FD9]  }
0x89: {  	s3 =	sld [smem:$0x3FFE];
	_ =	sdelay $0x1  }
0x8a: {  	s1 =	srdreg.scid  }
0x8b: {  	s0 =	sand.u32 $0x1, s1  }
0x8c: {  	s17 =	sshll.u32 s0, $0xA;
	s2 =	sadd.s32 s3, s2  }
0x8d: {  	s2 =	sadd.s32 s2, s17  }
0x8e: {  	[smem:$0x3FBD] =	sst s2  }
0x8f: {  	_ = 	snop  }
0x90: {  	s2 =	sld [smem:$0x3FD0];
	(tm) =	ssettm $0x1  }
0x91: {  	s18 =	sld [smem:$0x3FFB];
	_ =	sdelay $0x3  }
0x92: {  	_ =	strace s18  }
0x93: {  	s3 =	sld [smem:$0x3FFC];
	_ =	sdelay $0x3  }
0x94: {  	_ =	strace s3  }
0x95: {  	s3 =	sld [smem:$0x3FFD];
	_ =	sdelay $0x3  }
0x96: {  	_ =	strace s3  }
0x97: {  	_ =	strace $0x8FFFFFFF  }
0x98: {  	s19 =	sld [smem:$0x3FDB];
	_ =	sdelay $0x1  }
0x99: {  	s4 =	simm.s32 $_scs_section_size  }
0x9a: {  	s5 =	simm.s32 $_size__tile_overlayer_lowered;
	s6 =	simm.s32 $_tile_overlayer_lowered  }
0x9b: {  	s22 =	simm.s32 $0x1BFF;
	s21 =	sshll.u32 s6, $0x1;
	s3 =	sadd.s32 s4, s19  }
0x9c: {  	s7 =	simm.s32 $0x0;
	s20 =	sshll.u32 s5, $0x1;
	s5 =	sadd.s32 s21, s3  }
0x9d: {  	[timem:s7], [sflag:s22] =	dma.local [hbm:s5], s20  }
0x9e: {  	_ =	swait.ge [sflag:s22], s20  }
0x9f: {  	s4 =	ssub.s32 $0x0, s20;
	[sflag:s22] =	ssyncset.done $0x0  }
0xa0: {  	[sflag:s22] =	ssyncadd.s32 s4;
	_ =	sdelay $0x1  }
0xa1: {  	s23 =	simm.s32 $0x1B8B  }
0xa2: {  	_ =	swait.ge [sflag:s23], $0x1  }
0xa3: {  	[sflag:s23] =	ssyncset.done $0x0  }
0xa4: {  	s25 =	simm.s32 $0x1B8E;
	s24 =	sld [smem:$0x3FFE];
	[sflag:s23] =	ssyncadd.s32 $0xFFFFFFFF  }
0xa5: {  	s26 =	simm.s32 $execute0_lowered;
	[smem:$0x3FD2] =	sst s25  }
0xa6: {  	s5 =	sshll.u32 s26, $0x1;
	_ =	strace $0x80000046;
	[dreg:$0x1] =	wrdreg $0xFFFFFFFF  }
0xa7: {  	s28 =	simm.s32 $_size_execute0_lowered;
	s3 =	sadd.s32 s3, s5;
	[dreg:$0x0] =	wrdreg $0x0  }
0xa8: {  	s5 =	sshll.u32 s28, $0x1;
	[dreg:$0x2] =	wrdreg s3  }
0xa9: {  	[dreg:$0x3] =	wrdreg s5  }
0xaa: {  	[dreg:$0x4] =	wrdreg $0xC0  }
0xab: {  	_ =	task [dreg:s7], $0x5FFFF  }
0xac: {  	[dreg:$0x1] =	wrdreg $0xFFFFFFFF  }
0xad: {  	[dreg:$0x0] =	wrdreg $0x60  }
0xae: {  	[dreg:$0x2] =	wrdreg s2  }
0xaf: {  	[dreg:$0x3] =	wrdreg s24  }
0xb0: {  	[dreg:$0x4] =	wrdreg $0x9  }
0xb1: {  	_ =	task.clear_ibuf [dreg:s7], $0x5FFFF;
	_ =	strace $0x90000046  }
0xb2: {  	s29 =	simm.s32 $0x9;
	_ =	strace $0x80000048  }
0xb3: {  	_ =	swait.ge [sflag:s29], $0x1  }
0xb4: {  	[sflag:s29] =	ssyncadd.s32 $0xFFFFFFFF  }
0xb5: {  	_ =	strace $0x90000048  }
0xb6: {  	_ =	sfence  }
0xb7: {  	s30 =	sld [smem:$0x0];
	_ =	sdelay $0x2  }
0xb8: {  	s31 =	sshll.u32 s1, $0xD;
	s1 =	sshrl.u32 s1, $0x2  }
0xb9: {  	s3 =	sand.u32 $0x4000, s31;
	s1 =	sadd.s32 s1, s30  }
0xba: {  	s0 =	sor.u32 s3, s0;
	s1 =	sshll.u32 s1, $0x11  }
0xbb: {  	s0 =	sor.u32 s1, s0  }
0xbc: {  	s0 =	sadd.s32 $0x8F2B, s0  }
0xbd: {  	[sflag:s0] =	ssyncadd.remote.s32 $0x1  }
0xbe: {  	_ =	sfence.sel $0xFFFF  }
0xbf: {  	[dreg:$0x0] =	wrdreg $0xFFFFFFFF;
	(pc) =	sbr.abs _section_cstart, $3  }
0xc0: {  	[dreg:$0x1] =	wrdreg $0xFFFFFFFF  }
0xc1: {  	_ =	task.clear_ibuf [dreg:s7], $0x2FFFF;
	_ =	strace $0x9FFFFFFF  }
0xc2: {  	(tm) =	ssettm $0x7FFFFFFF  }
0xc3: {  	_ =	shalt  }
tec
execute0_lowered:
.L_overlay_start_1:
0x0: {  	(tag) =	ssettag $0x1  }
0x1: {  	s1 =	srdreg.scid;
	s0 =	stileid.u32  }
0x2: {  	s2 =	rddreg [dreg:$0x0];
	s7 =	sand.u32 $0x1, s1;
	s30 =	sshll.u32 s0, $0x1  }
0x3: {  	s9 =	rddreg [dreg:$0x1];
	s10 =	sor.u32 s7, s30  }
0x4: {  	s3 =	simm.s32 $0x0;
	s1 =	rddreg [dreg:$0x2];
	s4 =	sshll.u32 s10, $0x1  }
0x5: {  	[smem:$0x7FF] =	sst s3;
	s4 =	sadd.s32 s4, s9  }
0x6: {  	_ =	strace $0x80000047;
	s5 =	sadd.s32 $0x1600, s4;
	s4 =	simm.s32 $0x2  }
0x7: {  	[tilespmem:s3], [sflag:$0x2] =	stream.linear.gather [hbm4b:s5+s3], $0x10, $0x38;
	[tilespmem:$0x1080] =	vst v63  }
0x8: {  	_ =	swait.ge [sflag:s4], $0x10  }
0x9: {  	[sflag:s4] =	ssyncset.done $0x0  }
0xa: {  	[sflag:s4] =	ssyncadd.s32 $0xFFFFFFF0  }
0xb: {  	v0 =	vld [tilespmem:$0x0];
	_ =	sdelay $0x4  }
0xc: {  	v1 =	vshll.u32 v0, $0x1  }
0xd: {  	v2 =	vlaneseq.u32;
	v3 =	vand.u32 $0x7, v0;
	v1 =	vand.u32 $0xFFFFFFF0, v1  }
0xe: {  	v4 =	vshrl.u32 v2, $0x3;
	v0 =	vand.u32 $0x7, v2;
	v3 =	vor.u32 v3, v1  }
0xf: {  	v1 =	vmul.u32 $0x8, v4;
	v63 =	vperm.xlane v3, v0  }
0x10: {  	v2 =	vor.u32 $0x8, v2  }
0x11: {  	v3 =	vperm.xlane v3, v2;
	v4 =	vadd.s32 v1, v63;
	_ =	sdelay $0x1  }
0x12: {  	s11 =	ssub.s32 $0x2, s7;
	v3 =	vadd.s32 v1, v3  }
0x13: {  	s6 =	simm.s32 $0x80;
	s12 =	sshrl.u32 s11, $0x1  }
0x14: {  	vm0 =	vmmov $0xffff;
	s8 =	simm.s32 $0x1;
	s10 =	sshll.u32 s10, $0x9;
	s31 =	ssub.s32 s11, s12  }
0x15: {  	[tilespmem:s6], [sflag:$0x1] =	stream.indirect_vreg.gather [hbm4b:s2+s3], $0x80, v4, vm0, $0xb8;
	[tilespmem:$0x1080] =	vst v63  }
0x16: {  	s7 =	simm.s32 $0x880;
	s9 =	sadd.s32 s10, s9;
	s10 =	smax.u32 s31, $0x1  }
0x17: {  	[tilespmem:s7], [sflag:$0x1] =	stream.indirect_vreg.gather [hbm4b:s2+s3], $0x80, v3, vm0, $0xb8;
	[tilespmem:$0x1080] =	vst v63  }
0x18: {  	p0 =	sne.s32 s10, $0x1;
	_ =	swait.ge [sflag:s8], $0x1000  }
.Ltmp0:
0x19: {  	[sflag:s8] =	ssyncset.done $0x0;
	(pc) =	sbr.rel @!p0 .LBB2_2-.Ltmp0, $4  }
0x1a: {  	s9 =	sadd.s32 $0x1800, s9;
	[sflag:s8] =	ssyncadd.s32 $0xFFFFF000  }
0x1b: {  	[hbm4b:s9+s3] =	stream.linear.scatter [tilespmem:s6], [sflag:$0x2], $0x1000, $0x38;
	[tilespmem:$0x1080] =	vst v63  }
0x1c: {  	_ =	swait.ge [sflag:s4], $0x1000  }
0x1d: {  	s10 =	sadd.s32 $0xFFFFFFFF, s10;
	[sflag:s4] =	ssyncset.done $0x0  }
.LBB2_1:
0x1e: {  	p0 =	sne.s32 s10, $0x1;
	s10 =	sadd.s32 $0xFFFFFFFF, s10;
	[sflag:s4] =	ssyncadd.s32 $0xFFFFF000  }
0x1f: {  	[tilespmem:s3], [sflag:$0x2] =	stream.linear.gather [hbm4b:s5+s3], $0x10, $0x38;
	[tilespmem:$0x1080] =	vst v63  }
0x20: {  	_ =	swait.ge [sflag:s4], $0x10  }
0x21: {  	[sflag:s4] =	ssyncset.done $0x0  }
0x22: {  	[sflag:s4] =	ssyncadd.s32 $0xFFFFFFF0  }
0x23: {  	v3 =	vld [tilespmem:$0x0];
	_ =	sdelay $0x4  }
0x24: {  	v4 =	vshll.u32 v3, $0x1  }
0x25: {  	v3 =	vand.u32 $0x7, v3;
	v4 =	vand.u32 $0xFFFFFFF0, v4  }
0x26: {  	v3 =	vor.u32 v3, v4  }
0x27: {  	v4 =	vperm.xlane v3, v0;
	v3 =	vperm.xlane v3, v2;
	_ =	sdelay $0x1  }
0x28: {  	v4 =	vadd.s32 v1, v4;
	_ =	sdelay $0x1  }
0x29: {  	v3 =	vadd.s32 v1, v3;
	_ =	sdelay $0x2  }
0x2a: {  	[tilespmem:s6], [sflag:$0x1] =	stream.indirect_vreg.gather [hbm4b:s2+s3], $0x80, v4, vm0, $0xb8;
	[tilespmem:$0x1080] =	vst v63  }
0x2b: {  	_ = 	snop  }
0x2c: {  	[tilespmem:s7], [sflag:$0x1] =	stream.indirect_vreg.gather [hbm4b:s2+s3], $0x80, v3, vm0, $0xb8;
	[tilespmem:$0x1080] =	vst v63  }
0x2d: {  	_ =	swait.ge [sflag:s8], $0x1000  }
.Ltmp1:
0x2e: {  	[sflag:s8] =	ssyncset.done $0x0;
	(pc) =	sbr.rel @p0 .LBB2_1-.Ltmp1, $4  }
0x2f: {  	[sflag:s8] =	ssyncadd.s32 $0xFFFFF000  }
0x30: {  	[hbm4b:s9+s3] =	stream.linear.scatter [tilespmem:s6], [sflag:$0x2], $0x1000, $0x38;
	[tilespmem:$0x1080] =	vst v63  }
0x31: {  	_ =	swait.ge [sflag:s4], $0x1000  }
0x32: {  	[sflag:s4] =	ssyncset.done $0x0  }
.LBB2_2:
0x33: {  	[sflag:s4] =	ssyncadd.s32 $0xFFFFF000  }
0x34: {  	_ =	sfence.sel $0x180000  }
0x35: {  	[bflag:$0x0] =	sbarrier.arrive $0xFFFF  }
0x36: {  	p0 =	sne.s32 s0, $0x0;
	_ =	strace $0x90000047  }
0x37: {  	s0 =	sadd.s32 @!p0 $0x100000, s1;
	[bflag:$0x2] =	sbarrier.arrive $0xFFFF  }
0x38: {  	[sflag:s0] =	ssyncadd.tile.s32 @!p0 $0x1;
	_ =	shalt  }
.Lfunc_end2:
_tile_overlayer_lowered:
.L_overlay_start_2:
0x39: {  	(tag) =	ssettag $0x2  }
0x3a: {  	s0 =	rddreg [dreg:$0x0];
	s2 =	stileid.u32  }
0x3b: {  	s1 =	rddreg [dreg:$0x1];
	p0 =	sne.s32 s2, $0x0  }
0x3c: {  	s3 =	rddreg [dreg:$0x2];
	[bflag:$0x3] =	sbarrier.arrive $0xFFFF;
	s2 =	simm.s32 @!p0 $0x1C02  }
0x3d: {  	[timem:s3], [sflag:s2] =	dma.local @!p0 [hbm:s0], s1  }
0x3e: {  	s0 =	simm.s32 @!p0 $0x2  }
0x3f: {  	_ =	swait.ge @!p0 [sflag:s0], s1  }
0x40: {  	s1 =	ssub.s32 @!p0 $0x0, s1;
	[sflag:s0] =	ssyncset.done @!p0 $0x0  }
0x41: {  	[sflag:s0] =	ssyncadd.s32 @!p0 s1  }
0x42: {  	[bflag:$0x3] =	sbarrier.arrive $0xFFFF  }
0x43: {  	_ =	shalt  }

</sc_bundles>
